<compile_context>
chip_gen: v7x
topology: tpu7x:2x2x1
jax: 0.10.2.dev20260603
libtpu: 0.0.44.dev20260713+nightly
codegen_flags: <defaults>
</compile_context>

<pallas_src>
import functools

import jax
import jax.numpy as jnp
from jax import lax
from jax.experimental import pallas as pl
from jax.experimental.pallas import tpu as pltpu
from jax.experimental.pallas import tpu_sc as plsc

D = 128
H = 50
CHUNK = 64
NC = 2
NS = 16
NW = NC * NS
NBUF = 5
LA = 3
L = 16


@functools.lru_cache(maxsize=None)
def _build(batch):
  assert batch % (NW * CHUNK) == 0
  br = batch // NW
  sb_per_h = br // CHUNK
  n_chunks = H * sb_per_h
  assert n_chunks % NBUF == 0
  mesh = plsc.VectorSubcoreMesh(core_axis_name="c", subcore_axis_name="s")

  @functools.partial(
      pl.kernel,
      out_type=jax.ShapeDtypeStruct((H * batch, D), jnp.float32),
      mesh=mesh,
      scratch_types=[
          pltpu.VMEM((br, H), jnp.int32),
          pltpu.VMEM((NBUF, CHUNK), jnp.int32),
          pltpu.VMEM((NBUF, CHUNK, D), jnp.float32),
      ] + [pltpu.SemaphoreType.DMA] * (2 * NBUF),
      compiler_params=pltpu.CompilerParams(needs_layout_passes=False),
  )
  def gather_kernel(table_hbm, ids_hbm, out_hbm, idx_slab, idx_buf, rows_v,
                    *sems):
    gsem = sems[:NBUF]
    ssem = sems[NBUF:]
    wid = lax.axis_index("s") * NC + lax.axis_index("c")
    base_b = wid * br

    pltpu.sync_copy(ids_hbm.at[pl.ds(base_b, br)], idx_slab)

    def start_gather(c, slot):
      h = c // sb_per_h
      row0 = (c % sb_per_h) * CHUNK
      for g in range(CHUNK // L):
        rows = lax.iota(jnp.int32, L) + (row0 + g * L)
        cols = jnp.full((L,), 0, jnp.int32) + h
        vals = plsc.load_gather(idx_slab, [rows, cols])
        idx_buf[slot, pl.ds(g * L, L)] = vals
      pltpu.async_copy(
          table_hbm.at[idx_buf.at[slot]], rows_v.at[slot], gsem[slot])

    def wait_gather(slot):
      pltpu.make_async_copy(
          out_hbm.at[pl.ds(0, CHUNK)], rows_v.at[slot], gsem[slot]).wait()

    def wait_store(slot):
      pltpu.make_async_copy(
          rows_v.at[slot], out_hbm.at[pl.ds(0, CHUNK)], ssem[slot]).wait()

    def out_row(c):
      h = c // sb_per_h
      row0 = (c % sb_per_h) * CHUNK
      return h * batch + base_b + row0

    for c in range(LA):
      start_gather(c, c % NBUF)

    def outer(g, carry):
      c0 = g * NBUF
      for b in range(NBUF):
        c = c0 + b
        sg = (b + LA) % NBUF

        @pl.when(c + LA < n_chunks)
        def _():
          @pl.when(c >= NBUF - LA)
          def _():
            wait_store(sg)
          start_gather(c + LA, sg)

        wait_gather(b)
        pltpu.async_copy(
            rows_v.at[b], out_hbm.at[pl.ds(out_row(c), CHUNK)], ssem[b])
      return carry

    lax.fori_loop(0, n_chunks // NBUF, outer, 0)

    for b in range(NBUF):
      wait_store(b)

  return gather_kernel


def kernel(ids, embedding_matrix):
  b, h = ids.shape
  vocab, d = embedding_matrix.shape
  assert h == H and d == D
  out = _build(b)(embedding_matrix, ids.astype(jnp.int32))
  return out.reshape(H, b, D).transpose(1, 0, 2)

# --- scband reference (transcript-rebuilt; emitter-appended) ---
"""Pipeline reference for scband-shanke-model-40613210751481 (READ-ONLY COPY).

The authoritative reference and input builder live on the scoring server;
editing this copy changes nothing except your own understanding.
"""

import jax, jax.numpy as jnp
import numpy as np

VOCAB = 100000
EMBED_DIM = 128
BATCH = 16384
HIST = 50


def setup_inputs(seed: int = 0) -> dict:
    key = jax.random.key(seed)
    k_ids, k_tab = jax.random.split(key)
    ids = jax.random.randint(k_ids, (BATCH, HIST), 0, VOCAB, dtype=jnp.int64) if jax.config.jax_enable_x64 else jax.random.randint(k_ids, (BATCH, HIST), 0, VOCAB, dtype=jnp.int32)
    embedding_matrix = jax.random.normal(k_tab, (VOCAB, EMBED_DIM), dtype=jnp.float32)
    return {"ids": ids, "embedding_matrix": embedding_matrix}


def reference(ids, embedding_matrix):
    # nn.Embedding forward: row gather from the embedding table
    return jnp.take(embedding_matrix, ids, axis=0)

if __name__ == "__main__":
    import jax
    _d = setup_inputs()
    print(jax.jit(kernel)(*tuple(_d.values())))

</pallas_src>

<mosaic_0001>
#map = affine_map<(d0, d1) -> (0, 0)>
module attributes {stable_mosaic.version = 14 : i64} {
  func.func @gather_kernel(%arg0: i32, %arg1: i32, %arg2: memref<100000x128xf32, #tpu.memory_space<hbm>>, %arg3: memref<16384x50xi32, #tpu.memory_space<hbm>>, %arg4: memref<819200x128xf32, #tpu.memory_space<hbm>>, %arg5: memref<512x50xi32, #tpu.memory_space<vmem>>, %arg6: memref<5x64xi32, #tpu.memory_space<vmem>>, %arg7: memref<5x64x128xf32, #tpu.memory_space<vmem>>, %arg8: memref<!tpu.dma_semaphore, #tpu.memory_space<semaphore_mem>>, %arg9: memref<!tpu.dma_semaphore, #tpu.memory_space<semaphore_mem>>, %arg10: memref<!tpu.dma_semaphore, #tpu.memory_space<semaphore_mem>>, %arg11: memref<!tpu.dma_semaphore, #tpu.memory_space<semaphore_mem>>, %arg12: memref<!tpu.dma_semaphore, #tpu.memory_space<semaphore_mem>>, %arg13: memref<!tpu.dma_semaphore, #tpu.memory_space<semaphore_mem>>, %arg14: memref<!tpu.dma_semaphore, #tpu.memory_space<semaphore_mem>>, %arg15: memref<!tpu.dma_semaphore, #tpu.memory_space<semaphore_mem>>, %arg16: memref<!tpu.dma_semaphore, #tpu.memory_space<semaphore_mem>>, %arg17: memref<!tpu.dma_semaphore, #tpu.memory_space<semaphore_mem>>) attributes {dimension_semantics = [#tpu.dimension_semantics<core_parallel>, #tpu.dimension_semantics<subcore_parallel>], iteration_bounds = array<i64: 2, 16>, scalar_prefetch = 0 : i64, scratch_operands = 13 : i64, tpu.core_type = #tpu.core_type<sc_vector_subcore>, window_params = [{transform_indices = #map}, {transform_indices = #map}, {transform_indices = #map}]} {
    %mul3A = arith.constant 2 : i32
    %mul3A_0 = arith.muli %arg1, %mul3A : i32
    %add3A = arith.addi %mul3A_0, %arg0 : i32
    %mul3A_1 = arith.constant 512 : i32
    %mul3A_2 = arith.muli %add3A, %mul3A_1 : i32
    "tpu.region"() ({
      %run_scoped3A = tpu.sem_alloc : memref<!tpu.dma_semaphore, #tpu.memory_space<semaphore_mem>>
      %dma_start3A_281 = arith.constant 0 : i32
      %dma_start3A_282 = tpu.memref_slice %arg3[%mul3A_2, %dma_start3A_281] : memref<16384x50xi32, #tpu.memory_space<hbm>> -> memref<512x50xi32, #tpu.memory_space<hbm>>
      %dma_start3A_283 = arith.constant 0 : i32
      %dma_start3A_284 = tpu.memref_slice %arg3[%mul3A_2, %dma_start3A_283] : memref<16384x50xi32, #tpu.memory_space<hbm>> -> memref<512x50xi32, #tpu.memory_space<hbm>>
      tpu.enqueue_dma source(%dma_start3A_284 : memref<512x50xi32, #tpu.memory_space<hbm>>) target(%arg5 : memref<512x50xi32, #tpu.memory_space<vmem>>) target_semaphore(%run_scoped3A : memref<!tpu.dma_semaphore, #tpu.memory_space<semaphore_mem>>)
      %dma_wait3A_285 = arith.constant 0 : i32
      %dma_wait3A_286 = tpu.memref_slice %arg3[%mul3A_2, %dma_wait3A_285] : memref<16384x50xi32, #tpu.memory_space<hbm>> -> memref<512x50xi32, #tpu.memory_space<hbm>>
      %dma_wait3A_287 = arith.constant 0 : i32
      %dma_wait3A_288 = tpu.memref_slice %arg3[%mul3A_2, %dma_wait3A_287] : memref<16384x50xi32, #tpu.memory_space<hbm>> -> memref<512x50xi32, #tpu.memory_space<hbm>>
      tpu.wait_dma2 semaphore(%run_scoped3A : memref<!tpu.dma_semaphore, #tpu.memory_space<semaphore_mem>>) src(%dma_wait3A_288 : memref<512x50xi32, #tpu.memory_space<hbm>>) dst(%arg5 : memref<512x50xi32, #tpu.memory_space<vmem>>)
      tpu.yield
    }) : () -> ()
    %iota3A = tpu.iota {dimensions = array<i32: 0>} : vector<16xi32>
    %add3A_3 = arith.constant 0 : i32
    %add3A_4 = vector.broadcast %add3A_3 : i32 to vector<16xi32>
    %add3A_5 = arith.addi %iota3A, %add3A_4 : vector<16xi32>
    %broadcast_in_dim3A = arith.constant 0 : i32
    %broadcast_in_dim3A_6 = vector.broadcast %broadcast_in_dim3A : i32 to vector<16xi32>
    %add3A_7 = arith.constant 0 : i32
    %add3A_8 = vector.broadcast %add3A_7 : i32 to vector<16xi32>
    %add3A_9 = arith.addi %broadcast_in_dim3A_6, %add3A_8 : vector<16xi32>
    %gather3A = tpu.vector_load_idx %arg5[%add3A_5, %add3A_9] : memref<512x50xi32, #tpu.memory_space<vmem>>[vector<16xi32>, vector<16xi32>], vector<16xi32>,
    %swap3A = arith.constant 0 : i32
    %swap3A_10 = arith.index_cast %swap3A : i32 to index
    %swap3A_11 = arith.constant 0 : index
    %swap3A_12 = tpu.vector_load %arg6[%swap3A_10, %swap3A_11] {strides = array<i32>} : memref<5x64xi32, #tpu.memory_space<vmem>>, vector<16xi32>,
    tpu.vector_store %arg6[%swap3A_10, %swap3A_11], %gather3A {strides = array<i32>} : memref<5x64xi32, #tpu.memory_space<vmem>>, vector<16xi32>,
    %iota3A_13 = tpu.iota {dimensions = array<i32: 0>} : vector<16xi32>
    %add3A_14 = arith.constant 16 : i32
    %add3A_15 = vector.broadcast %add3A_14 : i32 to vector<16xi32>
    %add3A_16 = arith.addi %iota3A_13, %add3A_15 : vector<16xi32>
    %broadcast_in_dim3A_17 = arith.constant 0 : i32
    %broadcast_in_dim3A_18 = vector.broadcast %broadcast_in_dim3A_17 : i32 to vector<16xi32>
    %add3A_19 = arith.constant 0 : i32
    %add3A_20 = vector.broadcast %add3A_19 : i32 to vector<16xi32>
    %add3A_21 = arith.addi %broadcast_in_dim3A_18, %add3A_20 : vector<16xi32>
    %gather3A_22 = tpu.vector_load_idx %arg5[%add3A_16, %add3A_21] : memref<512x50xi32, #tpu.memory_space<vmem>>[vector<16xi32>, vector<16xi32>], vector<16xi32>,
    %swap3A_23 = arith.constant 0 : i32
    %swap3A_24 = arith.index_cast %swap3A_23 : i32 to index
    %swap3A_25 = arith.constant 16 : index
    %swap3A_26 = tpu.vector_load %arg6[%swap3A_24, %swap3A_25] {strides = array<i32>} : memref<5x64xi32, #tpu.memory_space<vmem>>, vector<16xi32>,
    tpu.vector_store %arg6[%swap3A_24, %swap3A_25], %gather3A_22 {strides = array<i32>} : memref<5x64xi32, #tpu.memory_space<vmem>>, vector<16xi32>,
    %iota3A_27 = tpu.iota {dimensions = array<i32: 0>} : vector<16xi32>
    %add3A_28 = arith.constant 32 : i32
    %add3A_29 = vector.broadcast %add3A_28 : i32 to vector<16xi32>
    %add3A_30 = arith.addi %iota3A_27, %add3A_29 : vector<16xi32>
    %broadcast_in_dim3A_31 = arith.constant 0 : i32
    %broadcast_in_dim3A_32 = vector.broadcast %broadcast_in_dim3A_31 : i32 to vector<16xi32>
    %add3A_33 = arith.constant 0 : i32
    %add3A_34 = vector.broadcast %add3A_33 : i32 to vector<16xi32>
    %add3A_35 = arith.addi %broadcast_in_dim3A_32, %add3A_34 : vector<16xi32>
    %gather3A_36 = tpu.vector_load_idx %arg5[%add3A_30, %add3A_35] : memref<512x50xi32, #tpu.memory_space<vmem>>[vector<16xi32>, vector<16xi32>], vector<16xi32>,
    %swap3A_37 = arith.constant 0 : i32
    %swap3A_38 = arith.index_cast %swap3A_37 : i32 to index
    %swap3A_39 = arith.constant 32 : index
    %swap3A_40 = tpu.vector_load %arg6[%swap3A_38, %swap3A_39] {strides = array<i32>} : memref<5x64xi32, #tpu.memory_space<vmem>>, vector<16xi32>,
    tpu.vector_store %arg6[%swap3A_38, %swap3A_39], %gather3A_36 {strides = array<i32>} : memref<5x64xi32, #tpu.memory_space<vmem>>, vector<16xi32>,
    %iota3A_41 = tpu.iota {dimensions = array<i32: 0>} : vector<16xi32>
    %add3A_42 = arith.constant 48 : i32
    %add3A_43 = vector.broadcast %add3A_42 : i32 to vector<16xi32>
    %add3A_44 = arith.addi %iota3A_41, %add3A_43 : vector<16xi32>
    %broadcast_in_dim3A_45 = arith.constant 0 : i32
    %broadcast_in_dim3A_46 = vector.broadcast %broadcast_in_dim3A_45 : i32 to vector<16xi32>
    %add3A_47 = arith.constant 0 : i32
    %add3A_48 = vector.broadcast %add3A_47 : i32 to vector<16xi32>
    %add3A_49 = arith.addi %broadcast_in_dim3A_46, %add3A_48 : vector<16xi32>
    %gather3A_50 = tpu.vector_load_idx %arg5[%add3A_44, %add3A_49] : memref<512x50xi32, #tpu.memory_space<vmem>>[vector<16xi32>, vector<16xi32>], vector<16xi32>,
    %swap3A_51 = arith.constant 0 : i32
    %swap3A_52 = arith.index_cast %swap3A_51 : i32 to index
    %swap3A_53 = arith.constant 48 : index
    %swap3A_54 = tpu.vector_load %arg6[%swap3A_52, %swap3A_53] {strides = array<i32>} : memref<5x64xi32, #tpu.memory_space<vmem>>, vector<16xi32>,
    tpu.vector_store %arg6[%swap3A_52, %swap3A_53], %gather3A_50 {strides = array<i32>} : memref<5x64xi32, #tpu.memory_space<vmem>>, vector<16xi32>,
    %dma_start3A = arith.constant 0 : i32
    %dma_start3A_55 = arith.constant 0 : i32
    %dma_start3A_56 = arith.constant 0 : i32
    %dma_start3A_57 = arith.constant 0 : i32
    %dma_start3A_58 = tpu.memref_slice %arg7[%dma_start3A_55, %dma_start3A_56, %dma_start3A_57] : memref<5x64x128xf32, #tpu.memory_space<vmem>> -> memref<1x64x128xf32, #tpu.memory_space<vmem>>
    %dma_start3A_59 = tpu.memref_squeeze %dma_start3A_58 : memref<1x64x128xf32, #tpu.memory_space<vmem>> -> memref<64x128xf32, #tpu.memory_space<vmem>>
    %dma_start3A_60 = arith.constant 0 : i32
    %dma_start3A_61 = tpu.memref_slice %arg6[%dma_start3A, %dma_start3A_60] : memref<5x64xi32, #tpu.memory_space<vmem>> -> memref<1x64xi32, #tpu.memory_space<vmem>>
    %dma_start3A_62 = tpu.memref_squeeze %dma_start3A_61 : memref<1x64xi32, #tpu.memory_space<vmem>> -> memref<64xi32, #tpu.memory_space<vmem>>
    %dma_start3A_63 = arith.constant 0 : i32
    %dma_start3A_64 = arith.constant 0 : i32
    %dma_start3A_65 = tpu.memref_slice %arg2[%dma_start3A_63, %dma_start3A_64] : memref<100000x128xf32, #tpu.memory_space<hbm>> -> memref<100000x128xf32, #tpu.memory_space<hbm>>
    tpu.enqueue_indirect_dma source(%dma_start3A_65 : memref<100000x128xf32, #tpu.memory_space<hbm>>) target(%dma_start3A_59 : memref<64x128xf32, #tpu.memory_space<vmem>>) offsets(%dma_start3A_62 : memref<64xi32, #tpu.memory_space<vmem>>) semaphore(%arg8 : memref<!tpu.dma_semaphore, #tpu.memory_space<semaphore_mem>>)
    %iota3A_66 = tpu.iota {dimensions = array<i32: 0>} : vector<16xi32>
    %add3A_67 = arith.constant 64 : i32
    %add3A_68 = vector.broadcast %add3A_67 : i32 to vector<16xi32>
    %add3A_69 = arith.addi %iota3A_66, %add3A_68 : vector<16xi32>
    %broadcast_in_dim3A_70 = arith.constant 0 : i32
    %broadcast_in_dim3A_71 = vector.broadcast %broadcast_in_dim3A_70 : i32 to vector<16xi32>
    %add3A_72 = arith.constant 0 : i32
    %add3A_73 = vector.broadcast %add3A_72 : i32 to vector<16xi32>
    %add3A_74 = arith.addi %broadcast_in_dim3A_71, %add3A_73 : vector<16xi32>
    %gather3A_75 = tpu.vector_load_idx %arg5[%add3A_69, %add3A_74] : memref<512x50xi32, #tpu.memory_space<vmem>>[vector<16xi32>, vector<16xi32>], vector<16xi32>,
    %swap3A_76 = arith.constant 1 : i32
    %swap3A_77 = arith.index_cast %swap3A_76 : i32 to index
    %swap3A_78 = arith.constant 0 : index
    %swap3A_79 = tpu.vector_load %arg6[%swap3A_77, %swap3A_78] {strides = array<i32>} : memref<5x64xi32, #tpu.memory_space<vmem>>, vector<16xi32>,
    tpu.vector_store %arg6[%swap3A_77, %swap3A_78], %gather3A_75 {strides = array<i32>} : memref<5x64xi32, #tpu.memory_space<vmem>>, vector<16xi32>,
    %iota3A_80 = tpu.iota {dimensions = array<i32: 0>} : vector<16xi32>
    %add3A_81 = arith.constant 80 : i32
    %add3A_82 = vector.broadcast %add3A_81 : i32 to vector<16xi32>
    %add3A_83 = arith.addi %iota3A_80, %add3A_82 : vector<16xi32>
    %broadcast_in_dim3A_84 = arith.constant 0 : i32
    %broadcast_in_dim3A_85 = vector.broadcast %broadcast_in_dim3A_84 : i32 to vector<16xi32>
    %add3A_86 = arith.constant 0 : i32
    %add3A_87 = vector.broadcast %add3A_86 : i32 to vector<16xi32>
    %add3A_88 = arith.addi %broadcast_in_dim3A_85, %add3A_87 : vector<16xi32>
    %gather3A_89 = tpu.vector_load_idx %arg5[%add3A_83, %add3A_88] : memref<512x50xi32, #tpu.memory_space<vmem>>[vector<16xi32>, vector<16xi32>], vector<16xi32>,
    %swap3A_90 = arith.constant 1 : i32
    %swap3A_91 = arith.index_cast %swap3A_90 : i32 to index
    %swap3A_92 = arith.constant 16 : index
    %swap3A_93 = tpu.vector_load %arg6[%swap3A_91, %swap3A_92] {strides = array<i32>} : memref<5x64xi32, #tpu.memory_space<vmem>>, vector<16xi32>,
    tpu.vector_store %arg6[%swap3A_91, %swap3A_92], %gather3A_89 {strides = array<i32>} : memref<5x64xi32, #tpu.memory_space<vmem>>, vector<16xi32>,
    %iota3A_94 = tpu.iota {dimensions = array<i32: 0>} : vector<16xi32>
    %add3A_95 = arith.constant 96 : i32
    %add3A_96 = vector.broadcast %add3A_95 : i32 to vector<16xi32>
    %add3A_97 = arith.addi %iota3A_94, %add3A_96 : vector<16xi32>
    %broadcast_in_dim3A_98 = arith.constant 0 : i32
    %broadcast_in_dim3A_99 = vector.broadcast %broadcast_in_dim3A_98 : i32 to vector<16xi32>
    %add3A_100 = arith.constant 0 : i32
    %add3A_101 = vector.broadcast %add3A_100 : i32 to vector<16xi32>
    %add3A_102 = arith.addi %broadcast_in_dim3A_99, %add3A_101 : vector<16xi32>
    %gather3A_103 = tpu.vector_load_idx %arg5[%add3A_97, %add3A_102] : memref<512x50xi32, #tpu.memory_space<vmem>>[vector<16xi32>, vector<16xi32>], vector<16xi32>,
    %swap3A_104 = arith.constant 1 : i32
    %swap3A_105 = arith.index_cast %swap3A_104 : i32 to index
    %swap3A_106 = arith.constant 32 : index
    %swap3A_107 = tpu.vector_load %arg6[%swap3A_105, %swap3A_106] {strides = array<i32>} : memref<5x64xi32, #tpu.memory_space<vmem>>, vector<16xi32>,
    tpu.vector_store %arg6[%swap3A_105, %swap3A_106], %gather3A_103 {strides = array<i32>} : memref<5x64xi32, #tpu.memory_space<vmem>>, vector<16xi32>,
    %iota3A_108 = tpu.iota {dimensions = array<i32: 0>} : vector<16xi32>
    %add3A_109 = arith.constant 112 : i32
    %add3A_110 = vector.broadcast %add3A_109 : i32 to vector<16xi32>
    %add3A_111 = arith.addi %iota3A_108, %add3A_110 : vector<16xi32>
    %broadcast_in_dim3A_112 = arith.constant 0 : i32
    %broadcast_in_dim3A_113 = vector.broadcast %broadcast_in_dim3A_112 : i32 to vector<16xi32>
    %add3A_114 = arith.constant 0 : i32
    %add3A_115 = vector.broadcast %add3A_114 : i32 to vector<16xi32>
    %add3A_116 = arith.addi %broadcast_in_dim3A_113, %add3A_115 : vector<16xi32>
    %gather3A_117 = tpu.vector_load_idx %arg5[%add3A_111, %add3A_116] : memref<512x50xi32, #tpu.memory_space<vmem>>[vector<16xi32>, vector<16xi32>], vector<16xi32>,
    %swap3A_118 = arith.constant 1 : i32
    %swap3A_119 = arith.index_cast %swap3A_118 : i32 to index
    %swap3A_120 = arith.constant 48 : index
    %swap3A_121 = tpu.vector_load %arg6[%swap3A_119, %swap3A_120] {strides = array<i32>} : memref<5x64xi32, #tpu.memory_space<vmem>>, vector<16xi32>,
    tpu.vector_store %arg6[%swap3A_119, %swap3A_120], %gather3A_117 {strides = array<i32>} : memref<5x64xi32, #tpu.memory_space<vmem>>, vector<16xi32>,
    %dma_start3A_122 = arith.constant 1 : i32
    %dma_start3A_123 = arith.constant 1 : i32
    %dma_start3A_124 = arith.constant 0 : i32
    %dma_start3A_125 = arith.constant 0 : i32
    %dma_start3A_126 = tpu.memref_slice %arg7[%dma_start3A_123, %dma_start3A_124, %dma_start3A_125] : memref<5x64x128xf32, #tpu.memory_space<vmem>> -> memref<1x64x128xf32, #tpu.memory_space<vmem>>
    %dma_start3A_127 = tpu.memref_squeeze %dma_start3A_126 : memref<1x64x128xf32, #tpu.memory_space<vmem>> -> memref<64x128xf32, #tpu.memory_space<vmem>>
    %dma_start3A_128 = arith.constant 0 : i32
    %dma_start3A_129 = tpu.memref_slice %arg6[%dma_start3A_122, %dma_start3A_128] : memref<5x64xi32, #tpu.memory_space<vmem>> -> memref<1x64xi32, #tpu.memory_space<vmem>>
    %dma_start3A_130 = tpu.memref_squeeze %dma_start3A_129 : memref<1x64xi32, #tpu.memory_space<vmem>> -> memref<64xi32, #tpu.memory_space<vmem>>
    %dma_start3A_131 = arith.constant 0 : i32
    %dma_start3A_132 = arith.constant 0 : i32
    %dma_start3A_133 = tpu.memref_slice %arg2[%dma_start3A_131, %dma_start3A_132] : memref<100000x128xf32, #tpu.memory_space<hbm>> -> memref<100000x128xf32, #tpu.memory_space<hbm>>
    tpu.enqueue_indirect_dma source(%dma_start3A_133 : memref<100000x128xf32, #tpu.memory_space<hbm>>) target(%dma_start3A_127 : memref<64x128xf32, #tpu.memory_space<vmem>>) offsets(%dma_start3A_130 : memref<64xi32, #tpu.memory_space<vmem>>) semaphore(%arg9 : memref<!tpu.dma_semaphore, #tpu.memory_space<semaphore_mem>>)
    %iota3A_134 = tpu.iota {dimensions = array<i32: 0>} : vector<16xi32>
    %add3A_135 = arith.constant 128 : i32
    %add3A_136 = vector.broadcast %add3A_135 : i32 to vector<16xi32>
    %add3A_137 = arith.addi %iota3A_134, %add3A_136 : vector<16xi32>
    %broadcast_in_dim3A_138 = arith.constant 0 : i32
    %broadcast_in_dim3A_139 = vector.broadcast %broadcast_in_dim3A_138 : i32 to vector<16xi32>
    %add3A_140 = arith.constant 0 : i32
    %add3A_141 = vector.broadcast %add3A_140 : i32 to vector<16xi32>
    %add3A_142 = arith.addi %broadcast_in_dim3A_139, %add3A_141 : vector<16xi32>
    %gather3A_143 = tpu.vector_load_idx %arg5[%add3A_137, %add3A_142] : memref<512x50xi32, #tpu.memory_space<vmem>>[vector<16xi32>, vector<16xi32>], vector<16xi32>,
    %swap3A_144 = arith.constant 2 : i32
    %swap3A_145 = arith.index_cast %swap3A_144 : i32 to index
    %swap3A_146 = arith.constant 0 : index
    %swap3A_147 = tpu.vector_load %arg6[%swap3A_145, %swap3A_146] {strides = array<i32>} : memref<5x64xi32, #tpu.memory_space<vmem>>, vector<16xi32>,
    tpu.vector_store %arg6[%swap3A_145, %swap3A_146], %gather3A_143 {strides = array<i32>} : memref<5x64xi32, #tpu.memory_space<vmem>>, vector<16xi32>,
    %iota3A_148 = tpu.iota {dimensions = array<i32: 0>} : vector<16xi32>
    %add3A_149 = arith.constant 144 : i32
    %add3A_150 = vector.broadcast %add3A_149 : i32 to vector<16xi32>
    %add3A_151 = arith.addi %iota3A_148, %add3A_150 : vector<16xi32>
    %broadcast_in_dim3A_152 = arith.constant 0 : i32
    %broadcast_in_dim3A_153 = vector.broadcast %broadcast_in_dim3A_152 : i32 to vector<16xi32>
    %add3A_154 = arith.constant 0 : i32
    %add3A_155 = vector.broadcast %add3A_154 : i32 to vector<16xi32>
    %add3A_156 = arith.addi %broadcast_in_dim3A_153, %add3A_155 : vector<16xi32>
    %gather3A_157 = tpu.vector_load_idx %arg5[%add3A_151, %add3A_156] : memref<512x50xi32, #tpu.memory_space<vmem>>[vector<16xi32>, vector<16xi32>], vector<16xi32>,
    %swap3A_158 = arith.constant 2 : i32
    %swap3A_159 = arith.index_cast %swap3A_158 : i32 to index
    %swap3A_160 = arith.constant 16 : index
    %swap3A_161 = tpu.vector_load %arg6[%swap3A_159, %swap3A_160] {strides = array<i32>} : memref<5x64xi32, #tpu.memory_space<vmem>>, vector<16xi32>,
    tpu.vector_store %arg6[%swap3A_159, %swap3A_160], %gather3A_157 {strides = array<i32>} : memref<5x64xi32, #tpu.memory_space<vmem>>, vector<16xi32>,
    %iota3A_162 = tpu.iota {dimensions = array<i32: 0>} : vector<16xi32>
    %add3A_163 = arith.constant 160 : i32
    %add3A_164 = vector.broadcast %add3A_163 : i32 to vector<16xi32>
    %add3A_165 = arith.addi %iota3A_162, %add3A_164 : vector<16xi32>
    %broadcast_in_dim3A_166 = arith.constant 0 : i32
    %broadcast_in_dim3A_167 = vector.broadcast %broadcast_in_dim3A_166 : i32 to vector<16xi32>
    %add3A_168 = arith.constant 0 : i32
    %add3A_169 = vector.broadcast %add3A_168 : i32 to vector<16xi32>
    %add3A_170 = arith.addi %broadcast_in_dim3A_167, %add3A_169 : vector<16xi32>
    %gather3A_171 = tpu.vector_load_idx %arg5[%add3A_165, %add3A_170] : memref<512x50xi32, #tpu.memory_space<vmem>>[vector<16xi32>, vector<16xi32>], vector<16xi32>,
    %swap3A_172 = arith.constant 2 : i32
    %swap3A_173 = arith.index_cast %swap3A_172 : i32 to index
    %swap3A_174 = arith.constant 32 : index
    %swap3A_175 = tpu.vector_load %arg6[%swap3A_173, %swap3A_174] {strides = array<i32>} : memref<5x64xi32, #tpu.memory_space<vmem>>, vector<16xi32>,
    tpu.vector_store %arg6[%swap3A_173, %swap3A_174], %gather3A_171 {strides = array<i32>} : memref<5x64xi32, #tpu.memory_space<vmem>>, vector<16xi32>,
    %iota3A_176 = tpu.iota {dimensions = array<i32: 0>} : vector<16xi32>
    %add3A_177 = arith.constant 176 : i32
    %add3A_178 = vector.broadcast %add3A_177 : i32 to vector<16xi32>
    %add3A_179 = arith.addi %iota3A_176, %add3A_178 : vector<16xi32>
    %broadcast_in_dim3A_180 = arith.constant 0 : i32
    %broadcast_in_dim3A_181 = vector.broadcast %broadcast_in_dim3A_180 : i32 to vector<16xi32>
    %add3A_182 = arith.constant 0 : i32
    %add3A_183 = vector.broadcast %add3A_182 : i32 to vector<16xi32>
    %add3A_184 = arith.addi %broadcast_in_dim3A_181, %add3A_183 : vector<16xi32>
    %gather3A_185 = tpu.vector_load_idx %arg5[%add3A_179, %add3A_184] : memref<512x50xi32, #tpu.memory_space<vmem>>[vector<16xi32>, vector<16xi32>], vector<16xi32>,
    %swap3A_186 = arith.constant 2 : i32
    %swap3A_187 = arith.index_cast %swap3A_186 : i32 to index
    %swap3A_188 = arith.constant 48 : index
    %swap3A_189 = tpu.vector_load %arg6[%swap3A_187, %swap3A_188] {strides = array<i32>} : memref<5x64xi32, #tpu.memory_space<vmem>>, vector<16xi32>,
    tpu.vector_store %arg6[%swap3A_187, %swap3A_188], %gather3A_185 {strides = array<i32>} : memref<5x64xi32, #tpu.memory_space<vmem>>, vector<16xi32>,
    %dma_start3A_190 = arith.constant 2 : i32
    %dma_start3A_191 = arith.constant 2 : i32
    %dma_start3A_192 = arith.constant 0 : i32
    %dma_start3A_193 = arith.constant 0 : i32
    %dma_start3A_194 = tpu.memref_slice %arg7[%dma_start3A_191, %dma_start3A_192, %dma_start3A_193] : memref<5x64x128xf32, #tpu.memory_space<vmem>> -> memref<1x64x128xf32, #tpu.memory_space<vmem>>
    %dma_start3A_195 = tpu.memref_squeeze %dma_start3A_194 : memref<1x64x128xf32, #tpu.memory_space<vmem>> -> memref<64x128xf32, #tpu.memory_space<vmem>>
    %dma_start3A_196 = arith.constant 0 : i32
    %dma_start3A_197 = tpu.memref_slice %arg6[%dma_start3A_190, %dma_start3A_196] : memref<5x64xi32, #tpu.memory_space<vmem>> -> memref<1x64xi32, #tpu.memory_space<vmem>>
    %dma_start3A_198 = tpu.memref_squeeze %dma_start3A_197 : memref<1x64xi32, #tpu.memory_space<vmem>> -> memref<64xi32, #tpu.memory_space<vmem>>
    %dma_start3A_199 = arith.constant 0 : i32
    %dma_start3A_200 = arith.constant 0 : i32
    %dma_start3A_201 = tpu.memref_slice %arg2[%dma_start3A_199, %dma_start3A_200] : memref<100000x128xf32, #tpu.memory_space<hbm>> -> memref<100000x128xf32, #tpu.memory_space<hbm>>
    tpu.enqueue_indirect_dma source(%dma_start3A_201 : memref<100000x128xf32, #tpu.memory_space<hbm>>) target(%dma_start3A_195 : memref<64x128xf32, #tpu.memory_space<vmem>>) offsets(%dma_start3A_198 : memref<64xi32, #tpu.memory_space<vmem>>) semaphore(%arg10 : memref<!tpu.dma_semaphore, #tpu.memory_space<semaphore_mem>>)
    %scan3A = arith.constant 0 : i32
    %scan3A_202 = arith.constant 0 : i32
    %scan3A_203 = arith.constant 80 : i32
    %scan3A_204 = arith.addi %scan3A_202, %scan3A_203 : i32
    %scan3A_205 = arith.constant 1 : i32
    scf.for %scan3A_281 = %scan3A_202 to %scan3A_204 step %scan3A_205  : i32 {
      %mul3A_282 = arith.constant 5 : i32
      %mul3A_283 = arith.muli %scan3A_281, %mul3A_282 : i32
      %add3A_284 = arith.constant 0 : i32
      %add3A_285 = arith.addi %mul3A_283, %add3A_284 : i32
      %add3A_286 = arith.constant 3 : i32
      %add3A_287 = arith.addi %add3A_285, %add3A_286 : i32
      %lt3A = arith.constant 400 : i32
      %lt3A_288 = arith.cmpi slt, %add3A_287, %lt3A : i32
      %convert_element_type3A = arith.extui %lt3A_288 : i1 to i32
      %cond3A = arith.constant 0 : i32
      %cond3A_289 = arith.cmpi ne, %convert_element_type3A, %cond3A : i32
      scf.if %cond3A_289 {
        %ge3A = arith.constant 2 : i32
        %ge3A_687 = arith.cmpi sge, %add3A_285, %ge3A : i32
        %convert_element_type3A_688 = arith.extui %ge3A_687 : i1 to i32
        %cond3A_689 = arith.constant 0 : i32
        %cond3A_690 = arith.cmpi ne, %convert_element_type3A_688, %cond3A_689 : i32
        scf.if %cond3A_690 {
          %dma_wait3A_803 = arith.constant 3 : i32
          %dma_wait3A_804 = arith.constant 0 : i32
          %dma_wait3A_805 = arith.constant 0 : i32
          %dma_wait3A_806 = tpu.memref_slice %arg7[%dma_wait3A_803, %dma_wait3A_804, %dma_wait3A_805] : memref<5x64x128xf32, #tpu.memory_space<vmem>> -> memref<1x64x128xf32, #tpu.memory_space<vmem>>
          %dma_wait3A_807 = tpu.memref_squeeze %dma_wait3A_806 : memref<1x64x128xf32, #tpu.memory_space<vmem>> -> memref<64x128xf32, #tpu.memory_space<vmem>>
          %dma_wait3A_808 = arith.constant 0 : i32
          %dma_wait3A_809 = arith.constant 0 : i32
          %dma_wait3A_810 = tpu.memref_slice %arg4[%dma_wait3A_808, %dma_wait3A_809] : memref<819200x128xf32, #tpu.memory_space<hbm>> -> memref<64x128xf32, #tpu.memory_space<hbm>>
          %dma_wait3A_811 = arith.constant 0 : i32
          %dma_wait3A_812 = arith.constant 0 : i32
          %dma_wait3A_813 = tpu.memref_slice %arg4[%dma_wait3A_811, %dma_wait3A_812] : memref<819200x128xf32, #tpu.memory_space<hbm>> -> memref<64x128xf32, #tpu.memory_space<hbm>>
          %dma_wait3A_814 = arith.constant 0 : i32
          %dma_wait3A_815 = arith.constant 0 : i32
          %dma_wait3A_816 = tpu.memref_slice %arg7[%dma_wait3A_803, %dma_wait3A_814, %dma_wait3A_815] : memref<5x64x128xf32, #tpu.memory_space<vmem>> -> memref<1x64x128xf32, #tpu.memory_space<vmem>>
          %dma_wait3A_817 = tpu.memref_squeeze %dma_wait3A_816 : memref<1x64x128xf32, #tpu.memory_space<vmem>> -> memref<64x128xf32, #tpu.memory_space<vmem>>
          tpu.wait_dma2 semaphore(%arg16 : memref<!tpu.dma_semaphore, #tpu.memory_space<semaphore_mem>>) src(%dma_wait3A_817 : memref<64x128xf32, #tpu.memory_space<vmem>>) dst(%dma_wait3A_813 : memref<64x128xf32, #tpu.memory_space<hbm>>)
        } else {
        }
        %add3A_691 = arith.constant 3 : i32
        %add3A_692 = arith.addi %add3A_285, %add3A_691 : i32
        %jit3A_693 = arith.constant 8 : i32
        %div3A_694 = arith.divsi %add3A_692, %jit3A_693 : i32
        %sign3A_695 = arith.constant 0 : i32
        %sign3A_696 = arith.cmpi sgt, %add3A_692, %sign3A_695 : i32
        %sign3A_697 = arith.extui %sign3A_696 : i1 to i32
        %sign3A_698 = arith.constant 0 : i32
        %sign3A_699 = arith.cmpi slt, %add3A_692, %sign3A_698 : i32
        %sign3A_700 = arith.extui %sign3A_699 : i1 to i32
        %sign3A_701 = arith.subi %sign3A_697, %sign3A_700 : i32
        %sign3A_702 = arith.constant 0 : i32
        %sign3A_703 = arith.cmpi sgt, %jit3A_693, %sign3A_702 : i32
        %sign3A_704 = arith.extui %sign3A_703 : i1 to i32
        %sign3A_705 = arith.constant 0 : i32
        %sign3A_706 = arith.cmpi slt, %jit3A_693, %sign3A_705 : i32
        %sign3A_707 = arith.extui %sign3A_706 : i1 to i32
        %sign3A_708 = arith.subi %sign3A_704, %sign3A_707 : i32
        %ne3A_709 = arith.cmpi ne, %sign3A_701, %sign3A_708 : i32
        %rem3A_710 = arith.remsi %add3A_692, %jit3A_693 : i32
        %ne3A_711 = arith.constant 0 : i32
        %ne3A_712 = arith.cmpi ne, %rem3A_710, %ne3A_711 : i32
        %and3A_713 = arith.andi %ne3A_709, %ne3A_712 : i1
        %sub3A_714 = arith.constant 1 : i32
        %sub3A_715 = arith.subi %div3A_694, %sub3A_714 : i32
        %select_n3A_716 = arith.select %and3A_713, %sub3A_715, %div3A_694 : i32
        %jit3A_717 = arith.constant 8 : i32
        %eq3A_718 = arith.constant 0 : i32
        %eq3A_719 = arith.cmpi eq, %jit3A_717, %eq3A_718 : i32
        %jit3A_720 = arith.constant 1 : i32
        %select_n3A_721 = arith.select %eq3A_719, %jit3A_720, %jit3A_717 : i32
        %rem3A_722 = arith.remsi %add3A_692, %select_n3A_721 : i32
        %ne3A_723 = arith.constant 0 : i32
        %ne3A_724 = arith.cmpi ne, %rem3A_722, %ne3A_723 : i32
        %lt3A_725 = arith.constant 0 : i32
        %lt3A_726 = arith.cmpi slt, %rem3A_722, %lt3A_725 : i32
        %lt3A_727 = arith.constant 0 : i32
        %lt3A_728 = arith.cmpi slt, %select_n3A_721, %lt3A_727 : i32
        %ne3A_729 = arith.xori %lt3A_726, %lt3A_728 : i1
        %and3A_730 = arith.andi %ne3A_729, %ne3A_724 : i1
        %add3A_731 = arith.addi %rem3A_722, %select_n3A_721 : i32
        %select_n3A_732 = arith.select %and3A_730, %add3A_731, %rem3A_722 : i32
        %mul3A_733 = arith.constant 64 : i32
        %mul3A_734 = arith.muli %select_n3A_732, %mul3A_733 : i32
        %iota3A_735 = tpu.iota {dimensions = array<i32: 0>} : vector<16xi32>
        %add3A_736 = arith.constant 0 : i32
        %add3A_737 = arith.addi %mul3A_734, %add3A_736 : i32
        %add3A_738 = vector.broadcast %add3A_737 : i32 to vector<16xi32>
        %add3A_739 = arith.addi %iota3A_735, %add3A_738 : vector<16xi32>
        %broadcast_in_dim3A_740 = arith.constant 0 : i32
        %broadcast_in_dim3A_741 = vector.broadcast %broadcast_in_dim3A_740 : i32 to vector<16xi32>
        %add3A_742 = vector.broadcast %select_n3A_716 : i32 to vector<16xi32>
        %add3A_743 = arith.addi %broadcast_in_dim3A_741, %add3A_742 : vector<16xi32>
        %gather3A_744 = tpu.vector_load_idx %arg5[%add3A_739, %add3A_743] : memref<512x50xi32, #tpu.memory_space<vmem>>[vector<16xi32>, vector<16xi32>], vector<16xi32>,
        %swap3A_745 = arith.constant 3 : i32
        %swap3A_746 = arith.index_cast %swap3A_745 : i32 to index
        %swap3A_747 = arith.constant 0 : index
        %swap3A_748 = tpu.vector_load %arg6[%swap3A_746, %swap3A_747] {strides = array<i32>} : memref<5x64xi32, #tpu.memory_space<vmem>>, vector<16xi32>,
        tpu.vector_store %arg6[%swap3A_746, %swap3A_747], %gather3A_744 {strides = array<i32>} : memref<5x64xi32, #tpu.memory_space<vmem>>, vector<16xi32>,
        %iota3A_749 = tpu.iota {dimensions = array<i32: 0>} : vector<16xi32>
        %add3A_750 = arith.constant 16 : i32
        %add3A_751 = arith.addi %mul3A_734, %add3A_750 : i32
        %add3A_752 = vector.broadcast %add3A_751 : i32 to vector<16xi32>
        %add3A_753 = arith.addi %iota3A_749, %add3A_752 : vector<16xi32>
        %broadcast_in_dim3A_754 = arith.constant 0 : i32
        %broadcast_in_dim3A_755 = vector.broadcast %broadcast_in_dim3A_754 : i32 to vector<16xi32>
        %add3A_756 = vector.broadcast %select_n3A_716 : i32 to vector<16xi32>
        %add3A_757 = arith.addi %broadcast_in_dim3A_755, %add3A_756 : vector<16xi32>
        %gather3A_758 = tpu.vector_load_idx %arg5[%add3A_753, %add3A_757] : memref<512x50xi32, #tpu.memory_space<vmem>>[vector<16xi32>, vector<16xi32>], vector<16xi32>,
        %swap3A_759 = arith.constant 3 : i32
        %swap3A_760 = arith.index_cast %swap3A_759 : i32 to index
        %swap3A_761 = arith.constant 16 : index
        %swap3A_762 = tpu.vector_load %arg6[%swap3A_760, %swap3A_761] {strides = array<i32>} : memref<5x64xi32, #tpu.memory_space<vmem>>, vector<16xi32>,
        tpu.vector_store %arg6[%swap3A_760, %swap3A_761], %gather3A_758 {strides = array<i32>} : memref<5x64xi32, #tpu.memory_space<vmem>>, vector<16xi32>,
        %iota3A_763 = tpu.iota {dimensions = array<i32: 0>} : vector<16xi32>
        %add3A_764 = arith.constant 32 : i32
        %add3A_765 = arith.addi %mul3A_734, %add3A_764 : i32
        %add3A_766 = vector.broadcast %add3A_765 : i32 to vector<16xi32>
        %add3A_767 = arith.addi %iota3A_763, %add3A_766 : vector<16xi32>
        %broadcast_in_dim3A_768 = arith.constant 0 : i32
        %broadcast_in_dim3A_769 = vector.broadcast %broadcast_in_dim3A_768 : i32 to vector<16xi32>
        %add3A_770 = vector.broadcast %select_n3A_716 : i32 to vector<16xi32>
        %add3A_771 = arith.addi %broadcast_in_dim3A_769, %add3A_770 : vector<16xi32>
        %gather3A_772 = tpu.vector_load_idx %arg5[%add3A_767, %add3A_771] : memref<512x50xi32, #tpu.memory_space<vmem>>[vector<16xi32>, vector<16xi32>], vector<16xi32>,
        %swap3A_773 = arith.constant 3 : i32
        %swap3A_774 = arith.index_cast %swap3A_773 : i32 to index
        %swap3A_775 = arith.constant 32 : index
        %swap3A_776 = tpu.vector_load %arg6[%swap3A_774, %swap3A_775] {strides = array<i32>} : memref<5x64xi32, #tpu.memory_space<vmem>>, vector<16xi32>,
        tpu.vector_store %arg6[%swap3A_774, %swap3A_775], %gather3A_772 {strides = array<i32>} : memref<5x64xi32, #tpu.memory_space<vmem>>, vector<16xi32>,
        %iota3A_777 = tpu.iota {dimensions = array<i32: 0>} : vector<16xi32>
        %add3A_778 = arith.constant 48 : i32
        %add3A_779 = arith.addi %mul3A_734, %add3A_778 : i32
        %add3A_780 = vector.broadcast %add3A_779 : i32 to vector<16xi32>
        %add3A_781 = arith.addi %iota3A_777, %add3A_780 : vector<16xi32>
        %broadcast_in_dim3A_782 = arith.constant 0 : i32
        %broadcast_in_dim3A_783 = vector.broadcast %broadcast_in_dim3A_782 : i32 to vector<16xi32>
        %add3A_784 = vector.broadcast %select_n3A_716 : i32 to vector<16xi32>
        %add3A_785 = arith.addi %broadcast_in_dim3A_783, %add3A_784 : vector<16xi32>
        %gather3A_786 = tpu.vector_load_idx %arg5[%add3A_781, %add3A_785] : memref<512x50xi32, #tpu.memory_space<vmem>>[vector<16xi32>, vector<16xi32>], vector<16xi32>,
        %swap3A_787 = arith.constant 3 : i32
        %swap3A_788 = arith.index_cast %swap3A_787 : i32 to index
        %swap3A_789 = arith.constant 48 : index
        %swap3A_790 = tpu.vector_load %arg6[%swap3A_788, %swap3A_789] {strides = array<i32>} : memref<5x64xi32, #tpu.memory_space<vmem>>, vector<16xi32>,
        tpu.vector_store %arg6[%swap3A_788, %swap3A_789], %gather3A_786 {strides = array<i32>} : memref<5x64xi32, #tpu.memory_space<vmem>>, vector<16xi32>,
        %dma_start3A_791 = arith.constant 3 : i32
        %dma_start3A_792 = arith.constant 3 : i32
        %dma_start3A_793 = arith.constant 0 : i32
        %dma_start3A_794 = arith.constant 0 : i32
        %dma_start3A_795 = tpu.memref_slice %arg7[%dma_start3A_792, %dma_start3A_793, %dma_start3A_794] : memref<5x64x128xf32, #tpu.memory_space<vmem>> -> memref<1x64x128xf32, #tpu.memory_space<vmem>>
        %dma_start3A_796 = tpu.memref_squeeze %dma_start3A_795 : memref<1x64x128xf32, #tpu.memory_space<vmem>> -> memref<64x128xf32, #tpu.memory_space<vmem>>
        %dma_start3A_797 = arith.constant 0 : i32
        %dma_start3A_798 = tpu.memref_slice %arg6[%dma_start3A_791, %dma_start3A_797] : memref<5x64xi32, #tpu.memory_space<vmem>> -> memref<1x64xi32, #tpu.memory_space<vmem>>
        %dma_start3A_799 = tpu.memref_squeeze %dma_start3A_798 : memref<1x64xi32, #tpu.memory_space<vmem>> -> memref<64xi32, #tpu.memory_space<vmem>>
        %dma_start3A_800 = arith.constant 0 : i32
        %dma_start3A_801 = arith.constant 0 : i32
        %dma_start3A_802 = tpu.memref_slice %arg2[%dma_start3A_800, %dma_start3A_801] : memref<100000x128xf32, #tpu.memory_space<hbm>> -> memref<100000x128xf32, #tpu.memory_space<hbm>>
        tpu.enqueue_indirect_dma source(%dma_start3A_802 : memref<100000x128xf32, #tpu.memory_space<hbm>>) target(%dma_start3A_796 : memref<64x128xf32, #tpu.memory_space<vmem>>) offsets(%dma_start3A_799 : memref<64xi32, #tpu.memory_space<vmem>>) semaphore(%arg11 : memref<!tpu.dma_semaphore, #tpu.memory_space<semaphore_mem>>)
      } else {
      }
      %dma_wait3A_290 = arith.constant 0 : i32
      %dma_wait3A_291 = arith.constant 0 : i32
      %dma_wait3A_292 = arith.constant 0 : i32
      %dma_wait3A_293 = tpu.memref_slice %arg7[%dma_wait3A_290, %dma_wait3A_291, %dma_wait3A_292] : memref<5x64x128xf32, #tpu.memory_space<vmem>> -> memref<1x64x128xf32, #tpu.memory_space<vmem>>
      %dma_wait3A_294 = tpu.memref_squeeze %dma_wait3A_293 : memref<1x64x128xf32, #tpu.memory_space<vmem>> -> memref<64x128xf32, #tpu.memory_space<vmem>>
      %dma_wait3A_295 = arith.constant 0 : i32
      %dma_wait3A_296 = arith.constant 0 : i32
      %dma_wait3A_297 = tpu.memref_slice %arg4[%dma_wait3A_295, %dma_wait3A_296] : memref<819200x128xf32, #tpu.memory_space<hbm>> -> memref<64x128xf32, #tpu.memory_space<hbm>>
      %dma_wait3A_298 = arith.constant 0 : i32
      %dma_wait3A_299 = arith.constant 0 : i32
      %dma_wait3A_300 = tpu.memref_slice %arg7[%dma_wait3A_290, %dma_wait3A_298, %dma_wait3A_299] : memref<5x64x128xf32, #tpu.memory_space<vmem>> -> memref<1x64x128xf32, #tpu.memory_space<vmem>>
      %dma_wait3A_301 = tpu.memref_squeeze %dma_wait3A_300 : memref<1x64x128xf32, #tpu.memory_space<vmem>> -> memref<64x128xf32, #tpu.memory_space<vmem>>
      %dma_wait3A_302 = arith.constant 0 : i32
      %dma_wait3A_303 = arith.constant 0 : i32
      %dma_wait3A_304 = tpu.memref_slice %arg4[%dma_wait3A_302, %dma_wait3A_303] : memref<819200x128xf32, #tpu.memory_space<hbm>> -> memref<64x128xf32, #tpu.memory_space<hbm>>
      tpu.wait_dma2 semaphore(%arg8 : memref<!tpu.dma_semaphore, #tpu.memory_space<semaphore_mem>>) src(%dma_wait3A_304 : memref<64x128xf32, #tpu.memory_space<hbm>>) dst(%dma_wait3A_301 : memref<64x128xf32, #tpu.memory_space<vmem>>)
      %jit3A = arith.constant 8 : i32
      %div3A = arith.divsi %add3A_285, %jit3A : i32
      %sign3A = arith.constant 0 : i32
      %sign3A_305 = arith.cmpi sgt, %add3A_285, %sign3A : i32
      %sign3A_306 = arith.extui %sign3A_305 : i1 to i32
      %sign3A_307 = arith.constant 0 : i32
      %sign3A_308 = arith.cmpi slt, %add3A_285, %sign3A_307 : i32
      %sign3A_309 = arith.extui %sign3A_308 : i1 to i32
      %sign3A_310 = arith.subi %sign3A_306, %sign3A_309 : i32
      %sign3A_311 = arith.constant 0 : i32
      %sign3A_312 = arith.cmpi sgt, %jit3A, %sign3A_311 : i32
      %sign3A_313 = arith.extui %sign3A_312 : i1 to i32
      %sign3A_314 = arith.constant 0 : i32
      %sign3A_315 = arith.cmpi slt, %jit3A, %sign3A_314 : i32
      %sign3A_316 = arith.extui %sign3A_315 : i1 to i32
      %sign3A_317 = arith.subi %sign3A_313, %sign3A_316 : i32
      %ne3A = arith.cmpi ne, %sign3A_310, %sign3A_317 : i32
      %rem3A = arith.remsi %add3A_285, %jit3A : i32
      %ne3A_318 = arith.constant 0 : i32
      %ne3A_319 = arith.cmpi ne, %rem3A, %ne3A_318 : i32
      %and3A = arith.andi %ne3A, %ne3A_319 : i1
      %sub3A = arith.constant 1 : i32
      %sub3A_320 = arith.subi %div3A, %sub3A : i32
      %select_n3A = arith.select %and3A, %sub3A_320, %div3A : i32
      %jit3A_321 = arith.constant 8 : i32
      %eq3A = arith.constant 0 : i32
      %eq3A_322 = arith.cmpi eq, %jit3A_321, %eq3A : i32
      %jit3A_323 = arith.constant 1 : i32
      %select_n3A_324 = arith.select %eq3A_322, %jit3A_323, %jit3A_321 : i32
      %rem3A_325 = arith.remsi %add3A_285, %select_n3A_324 : i32
      %ne3A_326 = arith.constant 0 : i32
      %ne3A_327 = arith.cmpi ne, %rem3A_325, %ne3A_326 : i32
      %lt3A_328 = arith.constant 0 : i32
      %lt3A_329 = arith.cmpi slt, %rem3A_325, %lt3A_328 : i32
      %lt3A_330 = arith.constant 0 : i32
      %lt3A_331 = arith.cmpi slt, %select_n3A_324, %lt3A_330 : i32
      %ne3A_332 = arith.xori %lt3A_329, %lt3A_331 : i1
      %and3A_333 = arith.andi %ne3A_332, %ne3A_327 : i1
      %add3A_334 = arith.addi %rem3A_325, %select_n3A_324 : i32
      %select_n3A_335 = arith.select %and3A_333, %add3A_334, %rem3A_325 : i32
      %mul3A_336 = arith.constant 64 : i32
      %mul3A_337 = arith.muli %select_n3A_335, %mul3A_336 : i32
      %mul3A_338 = arith.constant 16384 : i32
      %mul3A_339 = arith.muli %select_n3A, %mul3A_338 : i32
      %add3A_340 = arith.addi %mul3A_339, %mul3A_2 : i32
      %add3A_341 = arith.addi %add3A_340, %mul3A_337 : i32
      %dma_start3A_342 = arith.constant 0 : i32
      %dma_start3A_343 = arith.constant 0 : i32
      %dma_start3A_344 = arith.constant 0 : i32
      %dma_start3A_345 = tpu.memref_slice %arg7[%dma_start3A_342, %dma_start3A_343, %dma_start3A_344] : memref<5x64x128xf32, #tpu.memory_space<vmem>> -> memref<1x64x128xf32, #tpu.memory_space<vmem>>
      %dma_start3A_346 = tpu.memref_squeeze %dma_start3A_345 : memref<1x64x128xf32, #tpu.memory_space<vmem>> -> memref<64x128xf32, #tpu.memory_space<vmem>>
      %dma_start3A_347 = arith.constant 0 : i32
      %dma_start3A_348 = tpu.memref_slice %arg4[%add3A_341, %dma_start3A_347] : memref<819200x128xf32, #tpu.memory_space<hbm>> -> memref<64x128xf32, #tpu.memory_space<hbm>>
      %dma_start3A_349 = arith.constant 0 : i32
      %dma_start3A_350 = tpu.memref_slice %arg4[%add3A_341, %dma_start3A_349] : memref<819200x128xf32, #tpu.memory_space<hbm>> -> memref<64x128xf32, #tpu.memory_space<hbm>>
      %dma_start3A_351 = arith.constant 0 : i32
      %dma_start3A_352 = arith.constant 0 : i32
      %dma_start3A_353 = tpu.memref_slice %arg7[%dma_start3A_342, %dma_start3A_351, %dma_start3A_352] : memref<5x64x128xf32, #tpu.memory_space<vmem>> -> memref<1x64x128xf32, #tpu.memory_space<vmem>>
      %dma_start3A_354 = tpu.memref_squeeze %dma_start3A_353 : memref<1x64x128xf32, #tpu.memory_space<vmem>> -> memref<64x128xf32, #tpu.memory_space<vmem>>
      tpu.enqueue_dma source(%dma_start3A_354 : memref<64x128xf32, #tpu.memory_space<vmem>>) target(%dma_start3A_350 : memref<64x128xf32, #tpu.memory_space<hbm>>) target_semaphore(%arg13 : memref<!tpu.dma_semaphore, #tpu.memory_space<semaphore_mem>>)
      %add3A_355 = arith.constant 1 : i32
      %add3A_356 = arith.addi %mul3A_283, %add3A_355 : i32
      %add3A_357 = arith.constant 3 : i32
      %add3A_358 = arith.addi %add3A_356, %add3A_357 : i32
      %lt3A_359 = arith.constant 400 : i32
      %lt3A_360 = arith.cmpi slt, %add3A_358, %lt3A_359 : i32
      %convert_element_type3A_361 = arith.extui %lt3A_360 : i1 to i32
      %cond3A_362 = arith.constant 0 : i32
      %cond3A_363 = arith.cmpi ne, %convert_element_type3A_361, %cond3A_362 : i32
      scf.if %cond3A_363 {
        %ge3A = arith.constant 2 : i32
        %ge3A_687 = arith.cmpi sge, %add3A_356, %ge3A : i32
        %convert_element_type3A_688 = arith.extui %ge3A_687 : i1 to i32
        %cond3A_689 = arith.constant 0 : i32
        %cond3A_690 = arith.cmpi ne, %convert_element_type3A_688, %cond3A_689 : i32
        scf.if %cond3A_690 {
          %dma_wait3A_803 = arith.constant 4 : i32
          %dma_wait3A_804 = arith.constant 0 : i32
          %dma_wait3A_805 = arith.constant 0 : i32
          %dma_wait3A_806 = tpu.memref_slice %arg7[%dma_wait3A_803, %dma_wait3A_804, %dma_wait3A_805] : memref<5x64x128xf32, #tpu.memory_space<vmem>> -> memref<1x64x128xf32, #tpu.memory_space<vmem>>
          %dma_wait3A_807 = tpu.memref_squeeze %dma_wait3A_806 : memref<1x64x128xf32, #tpu.memory_space<vmem>> -> memref<64x128xf32, #tpu.memory_space<vmem>>
          %dma_wait3A_808 = arith.constant 0 : i32
          %dma_wait3A_809 = arith.constant 0 : i32
          %dma_wait3A_810 = tpu.memref_slice %arg4[%dma_wait3A_808, %dma_wait3A_809] : memref<819200x128xf32, #tpu.memory_space<hbm>> -> memref<64x128xf32, #tpu.memory_space<hbm>>
          %dma_wait3A_811 = arith.constant 0 : i32
          %dma_wait3A_812 = arith.constant 0 : i32
          %dma_wait3A_813 = tpu.memref_slice %arg4[%dma_wait3A_811, %dma_wait3A_812] : memref<819200x128xf32, #tpu.memory_space<hbm>> -> memref<64x128xf32, #tpu.memory_space<hbm>>
          %dma_wait3A_814 = arith.constant 0 : i32
          %dma_wait3A_815 = arith.constant 0 : i32
          %dma_wait3A_816 = tpu.memref_slice %arg7[%dma_wait3A_803, %dma_wait3A_814, %dma_wait3A_815] : memref<5x64x128xf32, #tpu.memory_space<vmem>> -> memref<1x64x128xf32, #tpu.memory_space<vmem>>
          %dma_wait3A_817 = tpu.memref_squeeze %dma_wait3A_816 : memref<1x64x128xf32, #tpu.memory_space<vmem>> -> memref<64x128xf32, #tpu.memory_space<vmem>>
          tpu.wait_dma2 semaphore(%arg17 : memref<!tpu.dma_semaphore, #tpu.memory_space<semaphore_mem>>) src(%dma_wait3A_817 : memref<64x128xf32, #tpu.memory_space<vmem>>) dst(%dma_wait3A_813 : memref<64x128xf32, #tpu.memory_space<hbm>>)
        } else {
        }
        %add3A_691 = arith.constant 3 : i32
        %add3A_692 = arith.addi %add3A_356, %add3A_691 : i32
        %jit3A_693 = arith.constant 8 : i32
        %div3A_694 = arith.divsi %add3A_692, %jit3A_693 : i32
        %sign3A_695 = arith.constant 0 : i32
        %sign3A_696 = arith.cmpi sgt, %add3A_692, %sign3A_695 : i32
        %sign3A_697 = arith.extui %sign3A_696 : i1 to i32
        %sign3A_698 = arith.constant 0 : i32
        %sign3A_699 = arith.cmpi slt, %add3A_692, %sign3A_698 : i32
        %sign3A_700 = arith.extui %sign3A_699 : i1 to i32
        %sign3A_701 = arith.subi %sign3A_697, %sign3A_700 : i32
        %sign3A_702 = arith.constant 0 : i32
        %sign3A_703 = arith.cmpi sgt, %jit3A_693, %sign3A_702 : i32
        %sign3A_704 = arith.extui %sign3A_703 : i1 to i32
        %sign3A_705 = arith.constant 0 : i32
        %sign3A_706 = arith.cmpi slt, %jit3A_693, %sign3A_705 : i32
        %sign3A_707 = arith.extui %sign3A_706 : i1 to i32
        %sign3A_708 = arith.subi %sign3A_704, %sign3A_707 : i32
        %ne3A_709 = arith.cmpi ne, %sign3A_701, %sign3A_708 : i32
        %rem3A_710 = arith.remsi %add3A_692, %jit3A_693 : i32
        %ne3A_711 = arith.constant 0 : i32
        %ne3A_712 = arith.cmpi ne, %rem3A_710, %ne3A_711 : i32
        %and3A_713 = arith.andi %ne3A_709, %ne3A_712 : i1
        %sub3A_714 = arith.constant 1 : i32
        %sub3A_715 = arith.subi %div3A_694, %sub3A_714 : i32
        %select_n3A_716 = arith.select %and3A_713, %sub3A_715, %div3A_694 : i32
        %jit3A_717 = arith.constant 8 : i32
        %eq3A_718 = arith.constant 0 : i32
        %eq3A_719 = arith.cmpi eq, %jit3A_717, %eq3A_718 : i32
        %jit3A_720 = arith.constant 1 : i32
        %select_n3A_721 = arith.select %eq3A_719, %jit3A_720, %jit3A_717 : i32
        %rem3A_722 = arith.remsi %add3A_692, %select_n3A_721 : i32
        %ne3A_723 = arith.constant 0 : i32
        %ne3A_724 = arith.cmpi ne, %rem3A_722, %ne3A_723 : i32
        %lt3A_725 = arith.constant 0 : i32
        %lt3A_726 = arith.cmpi slt, %rem3A_722, %lt3A_725 : i32
        %lt3A_727 = arith.constant 0 : i32
        %lt3A_728 = arith.cmpi slt, %select_n3A_721, %lt3A_727 : i32
        %ne3A_729 = arith.xori %lt3A_726, %lt3A_728 : i1
        %and3A_730 = arith.andi %ne3A_729, %ne3A_724 : i1
        %add3A_731 = arith.addi %rem3A_722, %select_n3A_721 : i32
        %select_n3A_732 = arith.select %and3A_730, %add3A_731, %rem3A_722 : i32
        %mul3A_733 = arith.constant 64 : i32
        %mul3A_734 = arith.muli %select_n3A_732, %mul3A_733 : i32
        %iota3A_735 = tpu.iota {dimensions = array<i32: 0>} : vector<16xi32>
        %add3A_736 = arith.constant 0 : i32
        %add3A_737 = arith.addi %mul3A_734, %add3A_736 : i32
        %add3A_738 = vector.broadcast %add3A_737 : i32 to vector<16xi32>
        %add3A_739 = arith.addi %iota3A_735, %add3A_738 : vector<16xi32>
        %broadcast_in_dim3A_740 = arith.constant 0 : i32
        %broadcast_in_dim3A_741 = vector.broadcast %broadcast_in_dim3A_740 : i32 to vector<16xi32>
        %add3A_742 = vector.broadcast %select_n3A_716 : i32 to vector<16xi32>
        %add3A_743 = arith.addi %broadcast_in_dim3A_741, %add3A_742 : vector<16xi32>
        %gather3A_744 = tpu.vector_load_idx %arg5[%add3A_739, %add3A_743] : memref<512x50xi32, #tpu.memory_space<vmem>>[vector<16xi32>, vector<16xi32>], vector<16xi32>,
        %swap3A_745 = arith.constant 4 : i32
        %swap3A_746 = arith.index_cast %swap3A_745 : i32 to index
        %swap3A_747 = arith.constant 0 : index
        %swap3A_748 = tpu.vector_load %arg6[%swap3A_746, %swap3A_747] {strides = array<i32>} : memref<5x64xi32, #tpu.memory_space<vmem>>, vector<16xi32>,
        tpu.vector_store %arg6[%swap3A_746, %swap3A_747], %gather3A_744 {strides = array<i32>} : memref<5x64xi32, #tpu.memory_space<vmem>>, vector<16xi32>,
        %iota3A_749 = tpu.iota {dimensions = array<i32: 0>} : vector<16xi32>
        %add3A_750 = arith.constant 16 : i32
        %add3A_751 = arith.addi %mul3A_734, %add3A_750 : i32
        %add3A_752 = vector.broadcast %add3A_751 : i32 to vector<16xi32>
        %add3A_753 = arith.addi %iota3A_749, %add3A_752 : vector<16xi32>
        %broadcast_in_dim3A_754 = arith.constant 0 : i32
        %broadcast_in_dim3A_755 = vector.broadcast %broadcast_in_dim3A_754 : i32 to vector<16xi32>
        %add3A_756 = vector.broadcast %select_n3A_716 : i32 to vector<16xi32>
        %add3A_757 = arith.addi %broadcast_in_dim3A_755, %add3A_756 : vector<16xi32>
        %gather3A_758 = tpu.vector_load_idx %arg5[%add3A_753, %add3A_757] : memref<512x50xi32, #tpu.memory_space<vmem>>[vector<16xi32>, vector<16xi32>], vector<16xi32>,
        %swap3A_759 = arith.constant 4 : i32
        %swap3A_760 = arith.index_cast %swap3A_759 : i32 to index
        %swap3A_761 = arith.constant 16 : index
        %swap3A_762 = tpu.vector_load %arg6[%swap3A_760, %swap3A_761] {strides = array<i32>} : memref<5x64xi32, #tpu.memory_space<vmem>>, vector<16xi32>,
        tpu.vector_store %arg6[%swap3A_760, %swap3A_761], %gather3A_758 {strides = array<i32>} : memref<5x64xi32, #tpu.memory_space<vmem>>, vector<16xi32>,
        %iota3A_763 = tpu.iota {dimensions = array<i32: 0>} : vector<16xi32>
        %add3A_764 = arith.constant 32 : i32
        %add3A_765 = arith.addi %mul3A_734, %add3A_764 : i32
        %add3A_766 = vector.broadcast %add3A_765 : i32 to vector<16xi32>
        %add3A_767 = arith.addi %iota3A_763, %add3A_766 : vector<16xi32>
        %broadcast_in_dim3A_768 = arith.constant 0 : i32
        %broadcast_in_dim3A_769 = vector.broadcast %broadcast_in_dim3A_768 : i32 to vector<16xi32>
        %add3A_770 = vector.broadcast %select_n3A_716 : i32 to vector<16xi32>
        %add3A_771 = arith.addi %broadcast_in_dim3A_769, %add3A_770 : vector<16xi32>
        %gather3A_772 = tpu.vector_load_idx %arg5[%add3A_767, %add3A_771] : memref<512x50xi32, #tpu.memory_space<vmem>>[vector<16xi32>, vector<16xi32>], vector<16xi32>,
        %swap3A_773 = arith.constant 4 : i32
        %swap3A_774 = arith.index_cast %swap3A_773 : i32 to index
        %swap3A_775 = arith.constant 32 : index
        %swap3A_776 = tpu.vector_load %arg6[%swap3A_774, %swap3A_775] {strides = array<i32>} : memref<5x64xi32, #tpu.memory_space<vmem>>, vector<16xi32>,
        tpu.vector_store %arg6[%swap3A_774, %swap3A_775], %gather3A_772 {strides = array<i32>} : memref<5x64xi32, #tpu.memory_space<vmem>>, vector<16xi32>,
        %iota3A_777 = tpu.iota {dimensions = array<i32: 0>} : vector<16xi32>
        %add3A_778 = arith.constant 48 : i32
        %add3A_779 = arith.addi %mul3A_734, %add3A_778 : i32
        %add3A_780 = vector.broadcast %add3A_779 : i32 to vector<16xi32>
        %add3A_781 = arith.addi %iota3A_777, %add3A_780 : vector<16xi32>
        %broadcast_in_dim3A_782 = arith.constant 0 : i32
        %broadcast_in_dim3A_783 = vector.broadcast %broadcast_in_dim3A_782 : i32 to vector<16xi32>
        %add3A_784 = vector.broadcast %select_n3A_716 : i32 to vector<16xi32>
        %add3A_785 = arith.addi %broadcast_in_dim3A_783, %add3A_784 : vector<16xi32>
        %gather3A_786 = tpu.vector_load_idx %arg5[%add3A_781, %add3A_785] : memref<512x50xi32, #tpu.memory_space<vmem>>[vector<16xi32>, vector<16xi32>], vector<16xi32>,
        %swap3A_787 = arith.constant 4 : i32
        %swap3A_788 = arith.index_cast %swap3A_787 : i32 to index
        %swap3A_789 = arith.constant 48 : index
        %swap3A_790 = tpu.vector_load %arg6[%swap3A_788, %swap3A_789] {strides = array<i32>} : memref<5x64xi32, #tpu.memory_space<vmem>>, vector<16xi32>,
        tpu.vector_store %arg6[%swap3A_788, %swap3A_789], %gather3A_786 {strides = array<i32>} : memref<5x64xi32, #tpu.memory_space<vmem>>, vector<16xi32>,
        %dma_start3A_791 = arith.constant 4 : i32
        %dma_start3A_792 = arith.constant 4 : i32
        %dma_start3A_793 = arith.constant 0 : i32
        %dma_start3A_794 = arith.constant 0 : i32
        %dma_start3A_795 = tpu.memref_slice %arg7[%dma_start3A_792, %dma_start3A_793, %dma_start3A_794] : memref<5x64x128xf32, #tpu.memory_space<vmem>> -> memref<1x64x128xf32, #tpu.memory_space<vmem>>
        %dma_start3A_796 = tpu.memref_squeeze %dma_start3A_795 : memref<1x64x128xf32, #tpu.memory_space<vmem>> -> memref<64x128xf32, #tpu.memory_space<vmem>>
        %dma_start3A_797 = arith.constant 0 : i32
        %dma_start3A_798 = tpu.memref_slice %arg6[%dma_start3A_791, %dma_start3A_797] : memref<5x64xi32, #tpu.memory_space<vmem>> -> memref<1x64xi32, #tpu.memory_space<vmem>>
        %dma_start3A_799 = tpu.memref_squeeze %dma_start3A_798 : memref<1x64xi32, #tpu.memory_space<vmem>> -> memref<64xi32, #tpu.memory_space<vmem>>
        %dma_start3A_800 = arith.constant 0 : i32
        %dma_start3A_801 = arith.constant 0 : i32
        %dma_start3A_802 = tpu.memref_slice %arg2[%dma_start3A_800, %dma_start3A_801] : memref<100000x128xf32, #tpu.memory_space<hbm>> -> memref<100000x128xf32, #tpu.memory_space<hbm>>
        tpu.enqueue_indirect_dma source(%dma_start3A_802 : memref<100000x128xf32, #tpu.memory_space<hbm>>) target(%dma_start3A_796 : memref<64x128xf32, #tpu.memory_space<vmem>>) offsets(%dma_start3A_799 : memref<64xi32, #tpu.memory_space<vmem>>) semaphore(%arg12 : memref<!tpu.dma_semaphore, #tpu.memory_space<semaphore_mem>>)
      } else {
      }
      %dma_wait3A_364 = arith.constant 1 : i32
      %dma_wait3A_365 = arith.constant 0 : i32
      %dma_wait3A_366 = arith.constant 0 : i32
      %dma_wait3A_367 = tpu.memref_slice %arg7[%dma_wait3A_364, %dma_wait3A_365, %dma_wait3A_366] : memref<5x64x128xf32, #tpu.memory_space<vmem>> -> memref<1x64x128xf32, #tpu.memory_space<vmem>>
      %dma_wait3A_368 = tpu.memref_squeeze %dma_wait3A_367 : memref<1x64x128xf32, #tpu.memory_space<vmem>> -> memref<64x128xf32, #tpu.memory_space<vmem>>
      %dma_wait3A_369 = arith.constant 0 : i32
      %dma_wait3A_370 = arith.constant 0 : i32
      %dma_wait3A_371 = tpu.memref_slice %arg4[%dma_wait3A_369, %dma_wait3A_370] : memref<819200x128xf32, #tpu.memory_space<hbm>> -> memref<64x128xf32, #tpu.memory_space<hbm>>
      %dma_wait3A_372 = arith.constant 0 : i32
      %dma_wait3A_373 = arith.constant 0 : i32
      %dma_wait3A_374 = tpu.memref_slice %arg7[%dma_wait3A_364, %dma_wait3A_372, %dma_wait3A_373] : memref<5x64x128xf32, #tpu.memory_space<vmem>> -> memref<1x64x128xf32, #tpu.memory_space<vmem>>
      %dma_wait3A_375 = tpu.memref_squeeze %dma_wait3A_374 : memref<1x64x128xf32, #tpu.memory_space<vmem>> -> memref<64x128xf32, #tpu.memory_space<vmem>>
      %dma_wait3A_376 = arith.constant 0 : i32
      %dma_wait3A_377 = arith.constant 0 : i32
      %dma_wait3A_378 = tpu.memref_slice %arg4[%dma_wait3A_376, %dma_wait3A_377] : memref<819200x128xf32, #tpu.memory_space<hbm>> -> memref<64x128xf32, #tpu.memory_space<hbm>>
      tpu.wait_dma2 semaphore(%arg9 : memref<!tpu.dma_semaphore, #tpu.memory_space<semaphore_mem>>) src(%dma_wait3A_378 : memref<64x128xf32, #tpu.memory_space<hbm>>) dst(%dma_wait3A_375 : memref<64x128xf32, #tpu.memory_space<vmem>>)
      %jit3A_379 = arith.constant 8 : i32
      %div3A_380 = arith.divsi %add3A_356, %jit3A_379 : i32
      %sign3A_381 = arith.constant 0 : i32
      %sign3A_382 = arith.cmpi sgt, %add3A_356, %sign3A_381 : i32
      %sign3A_383 = arith.extui %sign3A_382 : i1 to i32
      %sign3A_384 = arith.constant 0 : i32
      %sign3A_385 = arith.cmpi slt, %add3A_356, %sign3A_384 : i32
      %sign3A_386 = arith.extui %sign3A_385 : i1 to i32
      %sign3A_387 = arith.subi %sign3A_383, %sign3A_386 : i32
      %sign3A_388 = arith.constant 0 : i32
      %sign3A_389 = arith.cmpi sgt, %jit3A_379, %sign3A_388 : i32
      %sign3A_390 = arith.extui %sign3A_389 : i1 to i32
      %sign3A_391 = arith.constant 0 : i32
      %sign3A_392 = arith.cmpi slt, %jit3A_379, %sign3A_391 : i32
      %sign3A_393 = arith.extui %sign3A_392 : i1 to i32
      %sign3A_394 = arith.subi %sign3A_390, %sign3A_393 : i32
      %ne3A_395 = arith.cmpi ne, %sign3A_387, %sign3A_394 : i32
      %rem3A_396 = arith.remsi %add3A_356, %jit3A_379 : i32
      %ne3A_397 = arith.constant 0 : i32
      %ne3A_398 = arith.cmpi ne, %rem3A_396, %ne3A_397 : i32
      %and3A_399 = arith.andi %ne3A_395, %ne3A_398 : i1
      %sub3A_400 = arith.constant 1 : i32
      %sub3A_401 = arith.subi %div3A_380, %sub3A_400 : i32
      %select_n3A_402 = arith.select %and3A_399, %sub3A_401, %div3A_380 : i32
      %jit3A_403 = arith.constant 8 : i32
      %eq3A_404 = arith.constant 0 : i32
      %eq3A_405 = arith.cmpi eq, %jit3A_403, %eq3A_404 : i32
      %jit3A_406 = arith.constant 1 : i32
      %select_n3A_407 = arith.select %eq3A_405, %jit3A_406, %jit3A_403 : i32
      %rem3A_408 = arith.remsi %add3A_356, %select_n3A_407 : i32
      %ne3A_409 = arith.constant 0 : i32
      %ne3A_410 = arith.cmpi ne, %rem3A_408, %ne3A_409 : i32
      %lt3A_411 = arith.constant 0 : i32
      %lt3A_412 = arith.cmpi slt, %rem3A_408, %lt3A_411 : i32
      %lt3A_413 = arith.constant 0 : i32
      %lt3A_414 = arith.cmpi slt, %select_n3A_407, %lt3A_413 : i32
      %ne3A_415 = arith.xori %lt3A_412, %lt3A_414 : i1
      %and3A_416 = arith.andi %ne3A_415, %ne3A_410 : i1
      %add3A_417 = arith.addi %rem3A_408, %select_n3A_407 : i32
      %select_n3A_418 = arith.select %and3A_416, %add3A_417, %rem3A_408 : i32
      %mul3A_419 = arith.constant 64 : i32
      %mul3A_420 = arith.muli %select_n3A_418, %mul3A_419 : i32
      %mul3A_421 = arith.constant 16384 : i32
      %mul3A_422 = arith.muli %select_n3A_402, %mul3A_421 : i32
      %add3A_423 = arith.addi %mul3A_422, %mul3A_2 : i32
      %add3A_424 = arith.addi %add3A_423, %mul3A_420 : i32
      %dma_start3A_425 = arith.constant 1 : i32
      %dma_start3A_426 = arith.constant 0 : i32
      %dma_start3A_427 = arith.constant 0 : i32
      %dma_start3A_428 = tpu.memref_slice %arg7[%dma_start3A_425, %dma_start3A_426, %dma_start3A_427] : memref<5x64x128xf32, #tpu.memory_space<vmem>> -> memref<1x64x128xf32, #tpu.memory_space<vmem>>
      %dma_start3A_429 = tpu.memref_squeeze %dma_start3A_428 : memref<1x64x128xf32, #tpu.memory_space<vmem>> -> memref<64x128xf32, #tpu.memory_space<vmem>>
      %dma_start3A_430 = arith.constant 0 : i32
      %dma_start3A_431 = tpu.memref_slice %arg4[%add3A_424, %dma_start3A_430] : memref<819200x128xf32, #tpu.memory_space<hbm>> -> memref<64x128xf32, #tpu.memory_space<hbm>>
      %dma_start3A_432 = arith.constant 0 : i32
      %dma_start3A_433 = tpu.memref_slice %arg4[%add3A_424, %dma_start3A_432] : memref<819200x128xf32, #tpu.memory_space<hbm>> -> memref<64x128xf32, #tpu.memory_space<hbm>>
      %dma_start3A_434 = arith.constant 0 : i32
      %dma_start3A_435 = arith.constant 0 : i32
      %dma_start3A_436 = tpu.memref_slice %arg7[%dma_start3A_425, %dma_start3A_434, %dma_start3A_435] : memref<5x64x128xf32, #tpu.memory_space<vmem>> -> memref<1x64x128xf32, #tpu.memory_space<vmem>>
      %dma_start3A_437 = tpu.memref_squeeze %dma_start3A_436 : memref<1x64x128xf32, #tpu.memory_space<vmem>> -> memref<64x128xf32, #tpu.memory_space<vmem>>
      tpu.enqueue_dma source(%dma_start3A_437 : memref<64x128xf32, #tpu.memory_space<vmem>>) target(%dma_start3A_433 : memref<64x128xf32, #tpu.memory_space<hbm>>) target_semaphore(%arg14 : memref<!tpu.dma_semaphore, #tpu.memory_space<semaphore_mem>>)
      %add3A_438 = arith.constant 2 : i32
      %add3A_439 = arith.addi %mul3A_283, %add3A_438 : i32
      %add3A_440 = arith.constant 3 : i32
      %add3A_441 = arith.addi %add3A_439, %add3A_440 : i32
      %lt3A_442 = arith.constant 400 : i32
      %lt3A_443 = arith.cmpi slt, %add3A_441, %lt3A_442 : i32
      %convert_element_type3A_444 = arith.extui %lt3A_443 : i1 to i32
      %cond3A_445 = arith.constant 0 : i32
      %cond3A_446 = arith.cmpi ne, %convert_element_type3A_444, %cond3A_445 : i32
      scf.if %cond3A_446 {
        %ge3A = arith.constant 2 : i32
        %ge3A_687 = arith.cmpi sge, %add3A_439, %ge3A : i32
        %convert_element_type3A_688 = arith.extui %ge3A_687 : i1 to i32
        %cond3A_689 = arith.constant 0 : i32
        %cond3A_690 = arith.cmpi ne, %convert_element_type3A_688, %cond3A_689 : i32
        scf.if %cond3A_690 {
          %dma_wait3A_803 = arith.constant 0 : i32
          %dma_wait3A_804 = arith.constant 0 : i32
          %dma_wait3A_805 = arith.constant 0 : i32
          %dma_wait3A_806 = tpu.memref_slice %arg7[%dma_wait3A_803, %dma_wait3A_804, %dma_wait3A_805] : memref<5x64x128xf32, #tpu.memory_space<vmem>> -> memref<1x64x128xf32, #tpu.memory_space<vmem>>
          %dma_wait3A_807 = tpu.memref_squeeze %dma_wait3A_806 : memref<1x64x128xf32, #tpu.memory_space<vmem>> -> memref<64x128xf32, #tpu.memory_space<vmem>>
          %dma_wait3A_808 = arith.constant 0 : i32
          %dma_wait3A_809 = arith.constant 0 : i32
          %dma_wait3A_810 = tpu.memref_slice %arg4[%dma_wait3A_808, %dma_wait3A_809] : memref<819200x128xf32, #tpu.memory_space<hbm>> -> memref<64x128xf32, #tpu.memory_space<hbm>>
          %dma_wait3A_811 = arith.constant 0 : i32
          %dma_wait3A_812 = arith.constant 0 : i32
          %dma_wait3A_813 = tpu.memref_slice %arg4[%dma_wait3A_811, %dma_wait3A_812] : memref<819200x128xf32, #tpu.memory_space<hbm>> -> memref<64x128xf32, #tpu.memory_space<hbm>>
          %dma_wait3A_814 = arith.constant 0 : i32
          %dma_wait3A_815 = arith.constant 0 : i32
          %dma_wait3A_816 = tpu.memref_slice %arg7[%dma_wait3A_803, %dma_wait3A_814, %dma_wait3A_815] : memref<5x64x128xf32, #tpu.memory_space<vmem>> -> memref<1x64x128xf32, #tpu.memory_space<vmem>>
          %dma_wait3A_817 = tpu.memref_squeeze %dma_wait3A_816 : memref<1x64x128xf32, #tpu.memory_space<vmem>> -> memref<64x128xf32, #tpu.memory_space<vmem>>
          tpu.wait_dma2 semaphore(%arg13 : memref<!tpu.dma_semaphore, #tpu.memory_space<semaphore_mem>>) src(%dma_wait3A_817 : memref<64x128xf32, #tpu.memory_space<vmem>>) dst(%dma_wait3A_813 : memref<64x128xf32, #tpu.memory_space<hbm>>)
        } else {
        }
        %add3A_691 = arith.constant 3 : i32
        %add3A_692 = arith.addi %add3A_439, %add3A_691 : i32
        %jit3A_693 = arith.constant 8 : i32
        %div3A_694 = arith.divsi %add3A_692, %jit3A_693 : i32
        %sign3A_695 = arith.constant 0 : i32
        %sign3A_696 = arith.cmpi sgt, %add3A_692, %sign3A_695 : i32
        %sign3A_697 = arith.extui %sign3A_696 : i1 to i32
        %sign3A_698 = arith.constant 0 : i32
        %sign3A_699 = arith.cmpi slt, %add3A_692, %sign3A_698 : i32
        %sign3A_700 = arith.extui %sign3A_699 : i1 to i32
        %sign3A_701 = arith.subi %sign3A_697, %sign3A_700 : i32
        %sign3A_702 = arith.constant 0 : i32
        %sign3A_703 = arith.cmpi sgt, %jit3A_693, %sign3A_702 : i32
        %sign3A_704 = arith.extui %sign3A_703 : i1 to i32
        %sign3A_705 = arith.constant 0 : i32
        %sign3A_706 = arith.cmpi slt, %jit3A_693, %sign3A_705 : i32
        %sign3A_707 = arith.extui %sign3A_706 : i1 to i32
        %sign3A_708 = arith.subi %sign3A_704, %sign3A_707 : i32
        %ne3A_709 = arith.cmpi ne, %sign3A_701, %sign3A_708 : i32
        %rem3A_710 = arith.remsi %add3A_692, %jit3A_693 : i32
        %ne3A_711 = arith.constant 0 : i32
        %ne3A_712 = arith.cmpi ne, %rem3A_710, %ne3A_711 : i32
        %and3A_713 = arith.andi %ne3A_709, %ne3A_712 : i1
        %sub3A_714 = arith.constant 1 : i32
        %sub3A_715 = arith.subi %div3A_694, %sub3A_714 : i32
        %select_n3A_716 = arith.select %and3A_713, %sub3A_715, %div3A_694 : i32
        %jit3A_717 = arith.constant 8 : i32
        %eq3A_718 = arith.constant 0 : i32
        %eq3A_719 = arith.cmpi eq, %jit3A_717, %eq3A_718 : i32
        %jit3A_720 = arith.constant 1 : i32
        %select_n3A_721 = arith.select %eq3A_719, %jit3A_720, %jit3A_717 : i32
        %rem3A_722 = arith.remsi %add3A_692, %select_n3A_721 : i32
        %ne3A_723 = arith.constant 0 : i32
        %ne3A_724 = arith.cmpi ne, %rem3A_722, %ne3A_723 : i32
        %lt3A_725 = arith.constant 0 : i32
        %lt3A_726 = arith.cmpi slt, %rem3A_722, %lt3A_725 : i32
        %lt3A_727 = arith.constant 0 : i32
        %lt3A_728 = arith.cmpi slt, %select_n3A_721, %lt3A_727 : i32
        %ne3A_729 = arith.xori %lt3A_726, %lt3A_728 : i1
        %and3A_730 = arith.andi %ne3A_729, %ne3A_724 : i1
        %add3A_731 = arith.addi %rem3A_722, %select_n3A_721 : i32
        %select_n3A_732 = arith.select %and3A_730, %add3A_731, %rem3A_722 : i32
        %mul3A_733 = arith.constant 64 : i32
        %mul3A_734 = arith.muli %select_n3A_732, %mul3A_733 : i32
        %iota3A_735 = tpu.iota {dimensions = array<i32: 0>} : vector<16xi32>
        %add3A_736 = arith.constant 0 : i32
        %add3A_737 = arith.addi %mul3A_734, %add3A_736 : i32
        %add3A_738 = vector.broadcast %add3A_737 : i32 to vector<16xi32>
        %add3A_739 = arith.addi %iota3A_735, %add3A_738 : vector<16xi32>
        %broadcast_in_dim3A_740 = arith.constant 0 : i32
        %broadcast_in_dim3A_741 = vector.broadcast %broadcast_in_dim3A_740 : i32 to vector<16xi32>
        %add3A_742 = vector.broadcast %select_n3A_716 : i32 to vector<16xi32>
        %add3A_743 = arith.addi %broadcast_in_dim3A_741, %add3A_742 : vector<16xi32>
        %gather3A_744 = tpu.vector_load_idx %arg5[%add3A_739, %add3A_743] : memref<512x50xi32, #tpu.memory_space<vmem>>[vector<16xi32>, vector<16xi32>], vector<16xi32>,
        %swap3A_745 = arith.constant 0 : i32
        %swap3A_746 = arith.index_cast %swap3A_745 : i32 to index
        %swap3A_747 = arith.constant 0 : index
        %swap3A_748 = tpu.vector_load %arg6[%swap3A_746, %swap3A_747] {strides = array<i32>} : memref<5x64xi32, #tpu.memory_space<vmem>>, vector<16xi32>,
        tpu.vector_store %arg6[%swap3A_746, %swap3A_747], %gather3A_744 {strides = array<i32>} : memref<5x64xi32, #tpu.memory_space<vmem>>, vector<16xi32>,
        %iota3A_749 = tpu.iota {dimensions = array<i32: 0>} : vector<16xi32>
        %add3A_750 = arith.constant 16 : i32
        %add3A_751 = arith.addi %mul3A_734, %add3A_750 : i32
        %add3A_752 = vector.broadcast %add3A_751 : i32 to vector<16xi32>
        %add3A_753 = arith.addi %iota3A_749, %add3A_752 : vector<16xi32>
        %broadcast_in_dim3A_754 = arith.constant 0 : i32
        %broadcast_in_dim3A_755 = vector.broadcast %broadcast_in_dim3A_754 : i32 to vector<16xi32>
        %add3A_756 = vector.broadcast %select_n3A_716 : i32 to vector<16xi32>
        %add3A_757 = arith.addi %broadcast_in_dim3A_755, %add3A_756 : vector<16xi32>
        %gather3A_758 = tpu.vector_load_idx %arg5[%add3A_753, %add3A_757] : memref<512x50xi32, #tpu.memory_space<vmem>>[vector<16xi32>, vector<16xi32>], vector<16xi32>,
        %swap3A_759 = arith.constant 0 : i32
        %swap3A_760 = arith.index_cast %swap3A_759 : i32 to index
        %swap3A_761 = arith.constant 16 : index
        %swap3A_762 = tpu.vector_load %arg6[%swap3A_760, %swap3A_761] {strides = array<i32>} : memref<5x64xi32, #tpu.memory_space<vmem>>, vector<16xi32>,
        tpu.vector_store %arg6[%swap3A_760, %swap3A_761], %gather3A_758 {strides = array<i32>} : memref<5x64xi32, #tpu.memory_space<vmem>>, vector<16xi32>,
        %iota3A_763 = tpu.iota {dimensions = array<i32: 0>} : vector<16xi32>
        %add3A_764 = arith.constant 32 : i32
        %add3A_765 = arith.addi %mul3A_734, %add3A_764 : i32
        %add3A_766 = vector.broadcast %add3A_765 : i32 to vector<16xi32>
        %add3A_767 = arith.addi %iota3A_763, %add3A_766 : vector<16xi32>
        %broadcast_in_dim3A_768 = arith.constant 0 : i32
        %broadcast_in_dim3A_769 = vector.broadcast %broadcast_in_dim3A_768 : i32 to vector<16xi32>
        %add3A_770 = vector.broadcast %select_n3A_716 : i32 to vector<16xi32>
        %add3A_771 = arith.addi %broadcast_in_dim3A_769, %add3A_770 : vector<16xi32>
        %gather3A_772 = tpu.vector_load_idx %arg5[%add3A_767, %add3A_771] : memref<512x50xi32, #tpu.memory_space<vmem>>[vector<16xi32>, vector<16xi32>], vector<16xi32>,
        %swap3A_773 = arith.constant 0 : i32
        %swap3A_774 = arith.index_cast %swap3A_773 : i32 to index
        %swap3A_775 = arith.constant 32 : index
        %swap3A_776 = tpu.vector_load %arg6[%swap3A_774, %swap3A_775] {strides = array<i32>} : memref<5x64xi32, #tpu.memory_space<vmem>>, vector<16xi32>,
        tpu.vector_store %arg6[%swap3A_774, %swap3A_775], %gather3A_772 {strides = array<i32>} : memref<5x64xi32, #tpu.memory_space<vmem>>, vector<16xi32>,
        %iota3A_777 = tpu.iota {dimensions = array<i32: 0>} : vector<16xi32>
        %add3A_778 = arith.constant 48 : i32
        %add3A_779 = arith.addi %mul3A_734, %add3A_778 : i32
        %add3A_780 = vector.broadcast %add3A_779 : i32 to vector<16xi32>
        %add3A_781 = arith.addi %iota3A_777, %add3A_780 : vector<16xi32>
        %broadcast_in_dim3A_782 = arith.constant 0 : i32
        %broadcast_in_dim3A_783 = vector.broadcast %broadcast_in_dim3A_782 : i32 to vector<16xi32>
        %add3A_784 = vector.broadcast %select_n3A_716 : i32 to vector<16xi32>
        %add3A_785 = arith.addi %broadcast_in_dim3A_783, %add3A_784 : vector<16xi32>
        %gather3A_786 = tpu.vector_load_idx %arg5[%add3A_781, %add3A_785] : memref<512x50xi32, #tpu.memory_space<vmem>>[vector<16xi32>, vector<16xi32>], vector<16xi32>,
        %swap3A_787 = arith.constant 0 : i32
        %swap3A_788 = arith.index_cast %swap3A_787 : i32 to index
        %swap3A_789 = arith.constant 48 : index
        %swap3A_790 = tpu.vector_load %arg6[%swap3A_788, %swap3A_789] {strides = array<i32>} : memref<5x64xi32, #tpu.memory_space<vmem>>, vector<16xi32>,
        tpu.vector_store %arg6[%swap3A_788, %swap3A_789], %gather3A_786 {strides = array<i32>} : memref<5x64xi32, #tpu.memory_space<vmem>>, vector<16xi32>,
        %dma_start3A_791 = arith.constant 0 : i32
        %dma_start3A_792 = arith.constant 0 : i32
        %dma_start3A_793 = arith.constant 0 : i32
        %dma_start3A_794 = arith.constant 0 : i32
        %dma_start3A_795 = tpu.memref_slice %arg7[%dma_start3A_792, %dma_start3A_793, %dma_start3A_794] : memref<5x64x128xf32, #tpu.memory_space<vmem>> -> memref<1x64x128xf32, #tpu.memory_space<vmem>>
        %dma_start3A_796 = tpu.memref_squeeze %dma_start3A_795 : memref<1x64x128xf32, #tpu.memory_space<vmem>> -> memref<64x128xf32, #tpu.memory_space<vmem>>
        %dma_start3A_797 = arith.constant 0 : i32
        %dma_start3A_798 = tpu.memref_slice %arg6[%dma_start3A_791, %dma_start3A_797] : memref<5x64xi32, #tpu.memory_space<vmem>> -> memref<1x64xi32, #tpu.memory_space<vmem>>
        %dma_start3A_799 = tpu.memref_squeeze %dma_start3A_798 : memref<1x64xi32, #tpu.memory_space<vmem>> -> memref<64xi32, #tpu.memory_space<vmem>>
        %dma_start3A_800 = arith.constant 0 : i32
        %dma_start3A_801 = arith.constant 0 : i32
        %dma_start3A_802 = tpu.memref_slice %arg2[%dma_start3A_800, %dma_start3A_801] : memref<100000x128xf32, #tpu.memory_space<hbm>> -> memref<100000x128xf32, #tpu.memory_space<hbm>>
        tpu.enqueue_indirect_dma source(%dma_start3A_802 : memref<100000x128xf32, #tpu.memory_space<hbm>>) target(%dma_start3A_796 : memref<64x128xf32, #tpu.memory_space<vmem>>) offsets(%dma_start3A_799 : memref<64xi32, #tpu.memory_space<vmem>>) semaphore(%arg8 : memref<!tpu.dma_semaphore, #tpu.memory_space<semaphore_mem>>)
      } else {
      }
      %dma_wait3A_447 = arith.constant 2 : i32
      %dma_wait3A_448 = arith.constant 0 : i32
      %dma_wait3A_449 = arith.constant 0 : i32
      %dma_wait3A_450 = tpu.memref_slice %arg7[%dma_wait3A_447, %dma_wait3A_448, %dma_wait3A_449] : memref<5x64x128xf32, #tpu.memory_space<vmem>> -> memref<1x64x128xf32, #tpu.memory_space<vmem>>
      %dma_wait3A_451 = tpu.memref_squeeze %dma_wait3A_450 : memref<1x64x128xf32, #tpu.memory_space<vmem>> -> memref<64x128xf32, #tpu.memory_space<vmem>>
      %dma_wait3A_452 = arith.constant 0 : i32
      %dma_wait3A_453 = arith.constant 0 : i32
      %dma_wait3A_454 = tpu.memref_slice %arg4[%dma_wait3A_452, %dma_wait3A_453] : memref<819200x128xf32, #tpu.memory_space<hbm>> -> memref<64x128xf32, #tpu.memory_space<hbm>>
      %dma_wait3A_455 = arith.constant 0 : i32
      %dma_wait3A_456 = arith.constant 0 : i32
      %dma_wait3A_457 = tpu.memref_slice %arg7[%dma_wait3A_447, %dma_wait3A_455, %dma_wait3A_456] : memref<5x64x128xf32, #tpu.memory_space<vmem>> -> memref<1x64x128xf32, #tpu.memory_space<vmem>>
      %dma_wait3A_458 = tpu.memref_squeeze %dma_wait3A_457 : memref<1x64x128xf32, #tpu.memory_space<vmem>> -> memref<64x128xf32, #tpu.memory_space<vmem>>
      %dma_wait3A_459 = arith.constant 0 : i32
      %dma_wait3A_460 = arith.constant 0 : i32
      %dma_wait3A_461 = tpu.memref_slice %arg4[%dma_wait3A_459, %dma_wait3A_460] : memref<819200x128xf32, #tpu.memory_space<hbm>> -> memref<64x128xf32, #tpu.memory_space<hbm>>
      tpu.wait_dma2 semaphore(%arg10 : memref<!tpu.dma_semaphore, #tpu.memory_space<semaphore_mem>>) src(%dma_wait3A_461 : memref<64x128xf32, #tpu.memory_space<hbm>>) dst(%dma_wait3A_458 : memref<64x128xf32, #tpu.memory_space<vmem>>)
      %jit3A_462 = arith.constant 8 : i32
      %div3A_463 = arith.divsi %add3A_439, %jit3A_462 : i32
      %sign3A_464 = arith.constant 0 : i32
      %sign3A_465 = arith.cmpi sgt, %add3A_439, %sign3A_464 : i32
      %sign3A_466 = arith.extui %sign3A_465 : i1 to i32
      %sign3A_467 = arith.constant 0 : i32
      %sign3A_468 = arith.cmpi slt, %add3A_439, %sign3A_467 : i32
      %sign3A_469 = arith.extui %sign3A_468 : i1 to i32
      %sign3A_470 = arith.subi %sign3A_466, %sign3A_469 : i32
      %sign3A_471 = arith.constant 0 : i32
      %sign3A_472 = arith.cmpi sgt, %jit3A_462, %sign3A_471 : i32
      %sign3A_473 = arith.extui %sign3A_472 : i1 to i32
      %sign3A_474 = arith.constant 0 : i32
      %sign3A_475 = arith.cmpi slt, %jit3A_462, %sign3A_474 : i32
      %sign3A_476 = arith.extui %sign3A_475 : i1 to i32
      %sign3A_477 = arith.subi %sign3A_473, %sign3A_476 : i32
      %ne3A_478 = arith.cmpi ne, %sign3A_470, %sign3A_477 : i32
      %rem3A_479 = arith.remsi %add3A_439, %jit3A_462 : i32
      %ne3A_480 = arith.constant 0 : i32
      %ne3A_481 = arith.cmpi ne, %rem3A_479, %ne3A_480 : i32
      %and3A_482 = arith.andi %ne3A_478, %ne3A_481 : i1
      %sub3A_483 = arith.constant 1 : i32
      %sub3A_484 = arith.subi %div3A_463, %sub3A_483 : i32
      %select_n3A_485 = arith.select %and3A_482, %sub3A_484, %div3A_463 : i32
      %jit3A_486 = arith.constant 8 : i32
      %eq3A_487 = arith.constant 0 : i32
      %eq3A_488 = arith.cmpi eq, %jit3A_486, %eq3A_487 : i32
      %jit3A_489 = arith.constant 1 : i32
      %select_n3A_490 = arith.select %eq3A_488, %jit3A_489, %jit3A_486 : i32
      %rem3A_491 = arith.remsi %add3A_439, %select_n3A_490 : i32
      %ne3A_492 = arith.constant 0 : i32
      %ne3A_493 = arith.cmpi ne, %rem3A_491, %ne3A_492 : i32
      %lt3A_494 = arith.constant 0 : i32
      %lt3A_495 = arith.cmpi slt, %rem3A_491, %lt3A_494 : i32
      %lt3A_496 = arith.constant 0 : i32
      %lt3A_497 = arith.cmpi slt, %select_n3A_490, %lt3A_496 : i32
      %ne3A_498 = arith.xori %lt3A_495, %lt3A_497 : i1
      %and3A_499 = arith.andi %ne3A_498, %ne3A_493 : i1
      %add3A_500 = arith.addi %rem3A_491, %select_n3A_490 : i32
      %select_n3A_501 = arith.select %and3A_499, %add3A_500, %rem3A_491 : i32
      %mul3A_502 = arith.constant 64 : i32
      %mul3A_503 = arith.muli %select_n3A_501, %mul3A_502 : i32
      %mul3A_504 = arith.constant 16384 : i32
      %mul3A_505 = arith.muli %select_n3A_485, %mul3A_504 : i32
      %add3A_506 = arith.addi %mul3A_505, %mul3A_2 : i32
      %add3A_507 = arith.addi %add3A_506, %mul3A_503 : i32
      %dma_start3A_508 = arith.constant 2 : i32
      %dma_start3A_509 = arith.constant 0 : i32
      %dma_start3A_510 = arith.constant 0 : i32
      %dma_start3A_511 = tpu.memref_slice %arg7[%dma_start3A_508, %dma_start3A_509, %dma_start3A_510] : memref<5x64x128xf32, #tpu.memory_space<vmem>> -> memref<1x64x128xf32, #tpu.memory_space<vmem>>
      %dma_start3A_512 = tpu.memref_squeeze %dma_start3A_511 : memref<1x64x128xf32, #tpu.memory_space<vmem>> -> memref<64x128xf32, #tpu.memory_space<vmem>>
      %dma_start3A_513 = arith.constant 0 : i32
      %dma_start3A_514 = tpu.memref_slice %arg4[%add3A_507, %dma_start3A_513] : memref<819200x128xf32, #tpu.memory_space<hbm>> -> memref<64x128xf32, #tpu.memory_space<hbm>>
      %dma_start3A_515 = arith.constant 0 : i32
      %dma_start3A_516 = tpu.memref_slice %arg4[%add3A_507, %dma_start3A_515] : memref<819200x128xf32, #tpu.memory_space<hbm>> -> memref<64x128xf32, #tpu.memory_space<hbm>>
      %dma_start3A_517 = arith.constant 0 : i32
      %dma_start3A_518 = arith.constant 0 : i32
      %dma_start3A_519 = tpu.memref_slice %arg7[%dma_start3A_508, %dma_start3A_517, %dma_start3A_518] : memref<5x64x128xf32, #tpu.memory_space<vmem>> -> memref<1x64x128xf32, #tpu.memory_space<vmem>>
      %dma_start3A_520 = tpu.memref_squeeze %dma_start3A_519 : memref<1x64x128xf32, #tpu.memory_space<vmem>> -> memref<64x128xf32, #tpu.memory_space<vmem>>
      tpu.enqueue_dma source(%dma_start3A_520 : memref<64x128xf32, #tpu.memory_space<vmem>>) target(%dma_start3A_516 : memref<64x128xf32, #tpu.memory_space<hbm>>) target_semaphore(%arg15 : memref<!tpu.dma_semaphore, #tpu.memory_space<semaphore_mem>>)
      %add3A_521 = arith.constant 3 : i32
      %add3A_522 = arith.addi %mul3A_283, %add3A_521 : i32
      %add3A_523 = arith.constant 3 : i32
      %add3A_524 = arith.addi %add3A_522, %add3A_523 : i32
      %lt3A_525 = arith.constant 400 : i32
      %lt3A_526 = arith.cmpi slt, %add3A_524, %lt3A_525 : i32
      %convert_element_type3A_527 = arith.extui %lt3A_526 : i1 to i32
      %cond3A_528 = arith.constant 0 : i32
      %cond3A_529 = arith.cmpi ne, %convert_element_type3A_527, %cond3A_528 : i32
      scf.if %cond3A_529 {
        %ge3A = arith.constant 2 : i32
        %ge3A_687 = arith.cmpi sge, %add3A_522, %ge3A : i32
        %convert_element_type3A_688 = arith.extui %ge3A_687 : i1 to i32
        %cond3A_689 = arith.constant 0 : i32
        %cond3A_690 = arith.cmpi ne, %convert_element_type3A_688, %cond3A_689 : i32
        scf.if %cond3A_690 {
          %dma_wait3A_803 = arith.constant 1 : i32
          %dma_wait3A_804 = arith.constant 0 : i32
          %dma_wait3A_805 = arith.constant 0 : i32
          %dma_wait3A_806 = tpu.memref_slice %arg7[%dma_wait3A_803, %dma_wait3A_804, %dma_wait3A_805] : memref<5x64x128xf32, #tpu.memory_space<vmem>> -> memref<1x64x128xf32, #tpu.memory_space<vmem>>
          %dma_wait3A_807 = tpu.memref_squeeze %dma_wait3A_806 : memref<1x64x128xf32, #tpu.memory_space<vmem>> -> memref<64x128xf32, #tpu.memory_space<vmem>>
          %dma_wait3A_808 = arith.constant 0 : i32
          %dma_wait3A_809 = arith.constant 0 : i32
          %dma_wait3A_810 = tpu.memref_slice %arg4[%dma_wait3A_808, %dma_wait3A_809] : memref<819200x128xf32, #tpu.memory_space<hbm>> -> memref<64x128xf32, #tpu.memory_space<hbm>>
          %dma_wait3A_811 = arith.constant 0 : i32
          %dma_wait3A_812 = arith.constant 0 : i32
          %dma_wait3A_813 = tpu.memref_slice %arg4[%dma_wait3A_811, %dma_wait3A_812] : memref<819200x128xf32, #tpu.memory_space<hbm>> -> memref<64x128xf32, #tpu.memory_space<hbm>>
          %dma_wait3A_814 = arith.constant 0 : i32
          %dma_wait3A_815 = arith.constant 0 : i32
          %dma_wait3A_816 = tpu.memref_slice %arg7[%dma_wait3A_803, %dma_wait3A_814, %dma_wait3A_815] : memref<5x64x128xf32, #tpu.memory_space<vmem>> -> memref<1x64x128xf32, #tpu.memory_space<vmem>>
          %dma_wait3A_817 = tpu.memref_squeeze %dma_wait3A_816 : memref<1x64x128xf32, #tpu.memory_space<vmem>> -> memref<64x128xf32, #tpu.memory_space<vmem>>
          tpu.wait_dma2 semaphore(%arg14 : memref<!tpu.dma_semaphore, #tpu.memory_space<semaphore_mem>>) src(%dma_wait3A_817 : memref<64x128xf32, #tpu.memory_space<vmem>>) dst(%dma_wait3A_813 : memref<64x128xf32, #tpu.memory_space<hbm>>)
        } else {
        }
        %add3A_691 = arith.constant 3 : i32
        %add3A_692 = arith.addi %add3A_522, %add3A_691 : i32
        %jit3A_693 = arith.constant 8 : i32
        %div3A_694 = arith.divsi %add3A_692, %jit3A_693 : i32
        %sign3A_695 = arith.constant 0 : i32
        %sign3A_696 = arith.cmpi sgt, %add3A_692, %sign3A_695 : i32
        %sign3A_697 = arith.extui %sign3A_696 : i1 to i32
        %sign3A_698 = arith.constant 0 : i32
        %sign3A_699 = arith.cmpi slt, %add3A_692, %sign3A_698 : i32
        %sign3A_700 = arith.extui %sign3A_699 : i1 to i32
        %sign3A_701 = arith.subi %sign3A_697, %sign3A_700 : i32
        %sign3A_702 = arith.constant 0 : i32
        %sign3A_703 = arith.cmpi sgt, %jit3A_693, %sign3A_702 : i32
        %sign3A_704 = arith.extui %sign3A_703 : i1 to i32
        %sign3A_705 = arith.constant 0 : i32
        %sign3A_706 = arith.cmpi slt, %jit3A_693, %sign3A_705 : i32
        %sign3A_707 = arith.extui %sign3A_706 : i1 to i32
        %sign3A_708 = arith.subi %sign3A_704, %sign3A_707 : i32
        %ne3A_709 = arith.cmpi ne, %sign3A_701, %sign3A_708 : i32
        %rem3A_710 = arith.remsi %add3A_692, %jit3A_693 : i32
        %ne3A_711 = arith.constant 0 : i32
        %ne3A_712 = arith.cmpi ne, %rem3A_710, %ne3A_711 : i32
        %and3A_713 = arith.andi %ne3A_709, %ne3A_712 : i1
        %sub3A_714 = arith.constant 1 : i32
        %sub3A_715 = arith.subi %div3A_694, %sub3A_714 : i32
        %select_n3A_716 = arith.select %and3A_713, %sub3A_715, %div3A_694 : i32
        %jit3A_717 = arith.constant 8 : i32
        %eq3A_718 = arith.constant 0 : i32
        %eq3A_719 = arith.cmpi eq, %jit3A_717, %eq3A_718 : i32
        %jit3A_720 = arith.constant 1 : i32
        %select_n3A_721 = arith.select %eq3A_719, %jit3A_720, %jit3A_717 : i32
        %rem3A_722 = arith.remsi %add3A_692, %select_n3A_721 : i32
        %ne3A_723 = arith.constant 0 : i32
        %ne3A_724 = arith.cmpi ne, %rem3A_722, %ne3A_723 : i32
        %lt3A_725 = arith.constant 0 : i32
        %lt3A_726 = arith.cmpi slt, %rem3A_722, %lt3A_725 : i32
        %lt3A_727 = arith.constant 0 : i32
        %lt3A_728 = arith.cmpi slt, %select_n3A_721, %lt3A_727 : i32
        %ne3A_729 = arith.xori %lt3A_726, %lt3A_728 : i1
        %and3A_730 = arith.andi %ne3A_729, %ne3A_724 : i1
        %add3A_731 = arith.addi %rem3A_722, %select_n3A_721 : i32
        %select_n3A_732 = arith.select %and3A_730, %add3A_731, %rem3A_722 : i32
        %mul3A_733 = arith.constant 64 : i32
        %mul3A_734 = arith.muli %select_n3A_732, %mul3A_733 : i32
        %iota3A_735 = tpu.iota {dimensions = array<i32: 0>} : vector<16xi32>
        %add3A_736 = arith.constant 0 : i32
        %add3A_737 = arith.addi %mul3A_734, %add3A_736 : i32
        %add3A_738 = vector.broadcast %add3A_737 : i32 to vector<16xi32>
        %add3A_739 = arith.addi %iota3A_735, %add3A_738 : vector<16xi32>
        %broadcast_in_dim3A_740 = arith.constant 0 : i32
        %broadcast_in_dim3A_741 = vector.broadcast %broadcast_in_dim3A_740 : i32 to vector<16xi32>
        %add3A_742 = vector.broadcast %select_n3A_716 : i32 to vector<16xi32>
        %add3A_743 = arith.addi %broadcast_in_dim3A_741, %add3A_742 : vector<16xi32>
        %gather3A_744 = tpu.vector_load_idx %arg5[%add3A_739, %add3A_743] : memref<512x50xi32, #tpu.memory_space<vmem>>[vector<16xi32>, vector<16xi32>], vector<16xi32>,
        %swap3A_745 = arith.constant 1 : i32
        %swap3A_746 = arith.index_cast %swap3A_745 : i32 to index
        %swap3A_747 = arith.constant 0 : index
        %swap3A_748 = tpu.vector_load %arg6[%swap3A_746, %swap3A_747] {strides = array<i32>} : memref<5x64xi32, #tpu.memory_space<vmem>>, vector<16xi32>,
        tpu.vector_store %arg6[%swap3A_746, %swap3A_747], %gather3A_744 {strides = array<i32>} : memref<5x64xi32, #tpu.memory_space<vmem>>, vector<16xi32>,
        %iota3A_749 = tpu.iota {dimensions = array<i32: 0>} : vector<16xi32>
        %add3A_750 = arith.constant 16 : i32
        %add3A_751 = arith.addi %mul3A_734, %add3A_750 : i32
        %add3A_752 = vector.broadcast %add3A_751 : i32 to vector<16xi32>
        %add3A_753 = arith.addi %iota3A_749, %add3A_752 : vector<16xi32>
        %broadcast_in_dim3A_754 = arith.constant 0 : i32
        %broadcast_in_dim3A_755 = vector.broadcast %broadcast_in_dim3A_754 : i32 to vector<16xi32>
        %add3A_756 = vector.broadcast %select_n3A_716 : i32 to vector<16xi32>
        %add3A_757 = arith.addi %broadcast_in_dim3A_755, %add3A_756 : vector<16xi32>
        %gather3A_758 = tpu.vector_load_idx %arg5[%add3A_753, %add3A_757] : memref<512x50xi32, #tpu.memory_space<vmem>>[vector<16xi32>, vector<16xi32>], vector<16xi32>,
        %swap3A_759 = arith.constant 1 : i32
        %swap3A_760 = arith.index_cast %swap3A_759 : i32 to index
        %swap3A_761 = arith.constant 16 : index
        %swap3A_762 = tpu.vector_load %arg6[%swap3A_760, %swap3A_761] {strides = array<i32>} : memref<5x64xi32, #tpu.memory_space<vmem>>, vector<16xi32>,
        tpu.vector_store %arg6[%swap3A_760, %swap3A_761], %gather3A_758 {strides = array<i32>} : memref<5x64xi32, #tpu.memory_space<vmem>>, vector<16xi32>,
        %iota3A_763 = tpu.iota {dimensions = array<i32: 0>} : vector<16xi32>
        %add3A_764 = arith.constant 32 : i32
        %add3A_765 = arith.addi %mul3A_734, %add3A_764 : i32
        %add3A_766 = vector.broadcast %add3A_765 : i32 to vector<16xi32>
        %add3A_767 = arith.addi %iota3A_763, %add3A_766 : vector<16xi32>
        %broadcast_in_dim3A_768 = arith.constant 0 : i32
        %broadcast_in_dim3A_769 = vector.broadcast %broadcast_in_dim3A_768 : i32 to vector<16xi32>
        %add3A_770 = vector.broadcast %select_n3A_716 : i32 to vector<16xi32>
        %add3A_771 = arith.addi %broadcast_in_dim3A_769, %add3A_770 : vector<16xi32>
        %gather3A_772 = tpu.vector_load_idx %arg5[%add3A_767, %add3A_771] : memref<512x50xi32, #tpu.memory_space<vmem>>[vector<16xi32>, vector<16xi32>], vector<16xi32>,
        %swap3A_773 = arith.constant 1 : i32
        %swap3A_774 = arith.index_cast %swap3A_773 : i32 to index
        %swap3A_775 = arith.constant 32 : index
        %swap3A_776 = tpu.vector_load %arg6[%swap3A_774, %swap3A_775] {strides = array<i32>} : memref<5x64xi32, #tpu.memory_space<vmem>>, vector<16xi32>,
        tpu.vector_store %arg6[%swap3A_774, %swap3A_775], %gather3A_772 {strides = array<i32>} : memref<5x64xi32, #tpu.memory_space<vmem>>, vector<16xi32>,
        %iota3A_777 = tpu.iota {dimensions = array<i32: 0>} : vector<16xi32>
        %add3A_778 = arith.constant 48 : i32
        %add3A_779 = arith.addi %mul3A_734, %add3A_778 : i32
        %add3A_780 = vector.broadcast %add3A_779 : i32 to vector<16xi32>
        %add3A_781 = arith.addi %iota3A_777, %add3A_780 : vector<16xi32>
        %broadcast_in_dim3A_782 = arith.constant 0 : i32
        %broadcast_in_dim3A_783 = vector.broadcast %broadcast_in_dim3A_782 : i32 to vector<16xi32>
        %add3A_784 = vector.broadcast %select_n3A_716 : i32 to vector<16xi32>
        %add3A_785 = arith.addi %broadcast_in_dim3A_783, %add3A_784 : vector<16xi32>
        %gather3A_786 = tpu.vector_load_idx %arg5[%add3A_781, %add3A_785] : memref<512x50xi32, #tpu.memory_space<vmem>>[vector<16xi32>, vector<16xi32>], vector<16xi32>,
        %swap3A_787 = arith.constant 1 : i32
        %swap3A_788 = arith.index_cast %swap3A_787 : i32 to index
        %swap3A_789 = arith.constant 48 : index
        %swap3A_790 = tpu.vector_load %arg6[%swap3A_788, %swap3A_789] {strides = array<i32>} : memref<5x64xi32, #tpu.memory_space<vmem>>, vector<16xi32>,
        tpu.vector_store %arg6[%swap3A_788, %swap3A_789], %gather3A_786 {strides = array<i32>} : memref<5x64xi32, #tpu.memory_space<vmem>>, vector<16xi32>,
        %dma_start3A_791 = arith.constant 1 : i32
        %dma_start3A_792 = arith.constant 1 : i32
        %dma_start3A_793 = arith.constant 0 : i32
        %dma_start3A_794 = arith.constant 0 : i32
        %dma_start3A_795 = tpu.memref_slice %arg7[%dma_start3A_792, %dma_start3A_793, %dma_start3A_794] : memref<5x64x128xf32, #tpu.memory_space<vmem>> -> memref<1x64x128xf32, #tpu.memory_space<vmem>>
        %dma_start3A_796 = tpu.memref_squeeze %dma_start3A_795 : memref<1x64x128xf32, #tpu.memory_space<vmem>> -> memref<64x128xf32, #tpu.memory_space<vmem>>
        %dma_start3A_797 = arith.constant 0 : i32
        %dma_start3A_798 = tpu.memref_slice %arg6[%dma_start3A_791, %dma_start3A_797] : memref<5x64xi32, #tpu.memory_space<vmem>> -> memref<1x64xi32, #tpu.memory_space<vmem>>
        %dma_start3A_799 = tpu.memref_squeeze %dma_start3A_798 : memref<1x64xi32, #tpu.memory_space<vmem>> -> memref<64xi32, #tpu.memory_space<vmem>>
        %dma_start3A_800 = arith.constant 0 : i32
        %dma_start3A_801 = arith.constant 0 : i32
        %dma_start3A_802 = tpu.memref_slice %arg2[%dma_start3A_800, %dma_start3A_801] : memref<100000x128xf32, #tpu.memory_space<hbm>> -> memref<100000x128xf32, #tpu.memory_space<hbm>>
        tpu.enqueue_indirect_dma source(%dma_start3A_802 : memref<100000x128xf32, #tpu.memory_space<hbm>>) target(%dma_start3A_796 : memref<64x128xf32, #tpu.memory_space<vmem>>) offsets(%dma_start3A_799 : memref<64xi32, #tpu.memory_space<vmem>>) semaphore(%arg9 : memref<!tpu.dma_semaphore, #tpu.memory_space<semaphore_mem>>)
      } else {
      }
      %dma_wait3A_530 = arith.constant 3 : i32
      %dma_wait3A_531 = arith.constant 0 : i32
      %dma_wait3A_532 = arith.constant 0 : i32
      %dma_wait3A_533 = tpu.memref_slice %arg7[%dma_wait3A_530, %dma_wait3A_531, %dma_wait3A_532] : memref<5x64x128xf32, #tpu.memory_space<vmem>> -> memref<1x64x128xf32, #tpu.memory_space<vmem>>
      %dma_wait3A_534 = tpu.memref_squeeze %dma_wait3A_533 : memref<1x64x128xf32, #tpu.memory_space<vmem>> -> memref<64x128xf32, #tpu.memory_space<vmem>>
      %dma_wait3A_535 = arith.constant 0 : i32
      %dma_wait3A_536 = arith.constant 0 : i32
      %dma_wait3A_537 = tpu.memref_slice %arg4[%dma_wait3A_535, %dma_wait3A_536] : memref<819200x128xf32, #tpu.memory_space<hbm>> -> memref<64x128xf32, #tpu.memory_space<hbm>>
      %dma_wait3A_538 = arith.constant 0 : i32
      %dma_wait3A_539 = arith.constant 0 : i32
      %dma_wait3A_540 = tpu.memref_slice %arg7[%dma_wait3A_530, %dma_wait3A_538, %dma_wait3A_539] : memref<5x64x128xf32, #tpu.memory_space<vmem>> -> memref<1x64x128xf32, #tpu.memory_space<vmem>>
      %dma_wait3A_541 = tpu.memref_squeeze %dma_wait3A_540 : memref<1x64x128xf32, #tpu.memory_space<vmem>> -> memref<64x128xf32, #tpu.memory_space<vmem>>
      %dma_wait3A_542 = arith.constant 0 : i32
      %dma_wait3A_543 = arith.constant 0 : i32
      %dma_wait3A_544 = tpu.memref_slice %arg4[%dma_wait3A_542, %dma_wait3A_543] : memref<819200x128xf32, #tpu.memory_space<hbm>> -> memref<64x128xf32, #tpu.memory_space<hbm>>
      tpu.wait_dma2 semaphore(%arg11 : memref<!tpu.dma_semaphore, #tpu.memory_space<semaphore_mem>>) src(%dma_wait3A_544 : memref<64x128xf32, #tpu.memory_space<hbm>>) dst(%dma_wait3A_541 : memref<64x128xf32, #tpu.memory_space<vmem>>)
      %jit3A_545 = arith.constant 8 : i32
      %div3A_546 = arith.divsi %add3A_522, %jit3A_545 : i32
      %sign3A_547 = arith.constant 0 : i32
      %sign3A_548 = arith.cmpi sgt, %add3A_522, %sign3A_547 : i32
      %sign3A_549 = arith.extui %sign3A_548 : i1 to i32
      %sign3A_550 = arith.constant 0 : i32
      %sign3A_551 = arith.cmpi slt, %add3A_522, %sign3A_550 : i32
      %sign3A_552 = arith.extui %sign3A_551 : i1 to i32
      %sign3A_553 = arith.subi %sign3A_549, %sign3A_552 : i32
      %sign3A_554 = arith.constant 0 : i32
      %sign3A_555 = arith.cmpi sgt, %jit3A_545, %sign3A_554 : i32
      %sign3A_556 = arith.extui %sign3A_555 : i1 to i32
      %sign3A_557 = arith.constant 0 : i32
      %sign3A_558 = arith.cmpi slt, %jit3A_545, %sign3A_557 : i32
      %sign3A_559 = arith.extui %sign3A_558 : i1 to i32
      %sign3A_560 = arith.subi %sign3A_556, %sign3A_559 : i32
      %ne3A_561 = arith.cmpi ne, %sign3A_553, %sign3A_560 : i32
      %rem3A_562 = arith.remsi %add3A_522, %jit3A_545 : i32
      %ne3A_563 = arith.constant 0 : i32
      %ne3A_564 = arith.cmpi ne, %rem3A_562, %ne3A_563 : i32
      %and3A_565 = arith.andi %ne3A_561, %ne3A_564 : i1
      %sub3A_566 = arith.constant 1 : i32
      %sub3A_567 = arith.subi %div3A_546, %sub3A_566 : i32
      %select_n3A_568 = arith.select %and3A_565, %sub3A_567, %div3A_546 : i32
      %jit3A_569 = arith.constant 8 : i32
      %eq3A_570 = arith.constant 0 : i32
      %eq3A_571 = arith.cmpi eq, %jit3A_569, %eq3A_570 : i32
      %jit3A_572 = arith.constant 1 : i32
      %select_n3A_573 = arith.select %eq3A_571, %jit3A_572, %jit3A_569 : i32
      %rem3A_574 = arith.remsi %add3A_522, %select_n3A_573 : i32
      %ne3A_575 = arith.constant 0 : i32
      %ne3A_576 = arith.cmpi ne, %rem3A_574, %ne3A_575 : i32
      %lt3A_577 = arith.constant 0 : i32
      %lt3A_578 = arith.cmpi slt, %rem3A_574, %lt3A_577 : i32
      %lt3A_579 = arith.constant 0 : i32
      %lt3A_580 = arith.cmpi slt, %select_n3A_573, %lt3A_579 : i32
      %ne3A_581 = arith.xori %lt3A_578, %lt3A_580 : i1
      %and3A_582 = arith.andi %ne3A_581, %ne3A_576 : i1
      %add3A_583 = arith.addi %rem3A_574, %select_n3A_573 : i32
      %select_n3A_584 = arith.select %and3A_582, %add3A_583, %rem3A_574 : i32
      %mul3A_585 = arith.constant 64 : i32
      %mul3A_586 = arith.muli %select_n3A_584, %mul3A_585 : i32
      %mul3A_587 = arith.constant 16384 : i32
      %mul3A_588 = arith.muli %select_n3A_568, %mul3A_587 : i32
      %add3A_589 = arith.addi %mul3A_588, %mul3A_2 : i32
      %add3A_590 = arith.addi %add3A_589, %mul3A_586 : i32
      %dma_start3A_591 = arith.constant 3 : i32
      %dma_start3A_592 = arith.constant 0 : i32
      %dma_start3A_593 = arith.constant 0 : i32
      %dma_start3A_594 = tpu.memref_slice %arg7[%dma_start3A_591, %dma_start3A_592, %dma_start3A_593] : memref<5x64x128xf32, #tpu.memory_space<vmem>> -> memref<1x64x128xf32, #tpu.memory_space<vmem>>
      %dma_start3A_595 = tpu.memref_squeeze %dma_start3A_594 : memref<1x64x128xf32, #tpu.memory_space<vmem>> -> memref<64x128xf32, #tpu.memory_space<vmem>>
      %dma_start3A_596 = arith.constant 0 : i32
      %dma_start3A_597 = tpu.memref_slice %arg4[%add3A_590, %dma_start3A_596] : memref<819200x128xf32, #tpu.memory_space<hbm>> -> memref<64x128xf32, #tpu.memory_space<hbm>>
      %dma_start3A_598 = arith.constant 0 : i32
      %dma_start3A_599 = tpu.memref_slice %arg4[%add3A_590, %dma_start3A_598] : memref<819200x128xf32, #tpu.memory_space<hbm>> -> memref<64x128xf32, #tpu.memory_space<hbm>>
      %dma_start3A_600 = arith.constant 0 : i32
      %dma_start3A_601 = arith.constant 0 : i32
      %dma_start3A_602 = tpu.memref_slice %arg7[%dma_start3A_591, %dma_start3A_600, %dma_start3A_601] : memref<5x64x128xf32, #tpu.memory_space<vmem>> -> memref<1x64x128xf32, #tpu.memory_space<vmem>>
      %dma_start3A_603 = tpu.memref_squeeze %dma_start3A_602 : memref<1x64x128xf32, #tpu.memory_space<vmem>> -> memref<64x128xf32, #tpu.memory_space<vmem>>
      tpu.enqueue_dma source(%dma_start3A_603 : memref<64x128xf32, #tpu.memory_space<vmem>>) target(%dma_start3A_599 : memref<64x128xf32, #tpu.memory_space<hbm>>) target_semaphore(%arg16 : memref<!tpu.dma_semaphore, #tpu.memory_space<semaphore_mem>>)
      %add3A_604 = arith.constant 4 : i32
      %add3A_605 = arith.addi %mul3A_283, %add3A_604 : i32
      %add3A_606 = arith.constant 3 : i32
      %add3A_607 = arith.addi %add3A_605, %add3A_606 : i32
      %lt3A_608 = arith.constant 400 : i32
      %lt3A_609 = arith.cmpi slt, %add3A_607, %lt3A_608 : i32
      %convert_element_type3A_610 = arith.extui %lt3A_609 : i1 to i32
      %cond3A_611 = arith.constant 0 : i32
      %cond3A_612 = arith.cmpi ne, %convert_element_type3A_610, %cond3A_611 : i32
      scf.if %cond3A_612 {
        %ge3A = arith.constant 2 : i32
        %ge3A_687 = arith.cmpi sge, %add3A_605, %ge3A : i32
        %convert_element_type3A_688 = arith.extui %ge3A_687 : i1 to i32
        %cond3A_689 = arith.constant 0 : i32
        %cond3A_690 = arith.cmpi ne, %convert_element_type3A_688, %cond3A_689 : i32
        scf.if %cond3A_690 {
          %dma_wait3A_803 = arith.constant 2 : i32
          %dma_wait3A_804 = arith.constant 0 : i32
          %dma_wait3A_805 = arith.constant 0 : i32
          %dma_wait3A_806 = tpu.memref_slice %arg7[%dma_wait3A_803, %dma_wait3A_804, %dma_wait3A_805] : memref<5x64x128xf32, #tpu.memory_space<vmem>> -> memref<1x64x128xf32, #tpu.memory_space<vmem>>
          %dma_wait3A_807 = tpu.memref_squeeze %dma_wait3A_806 : memref<1x64x128xf32, #tpu.memory_space<vmem>> -> memref<64x128xf32, #tpu.memory_space<vmem>>
          %dma_wait3A_808 = arith.constant 0 : i32
          %dma_wait3A_809 = arith.constant 0 : i32
          %dma_wait3A_810 = tpu.memref_slice %arg4[%dma_wait3A_808, %dma_wait3A_809] : memref<819200x128xf32, #tpu.memory_space<hbm>> -> memref<64x128xf32, #tpu.memory_space<hbm>>
          %dma_wait3A_811 = arith.constant 0 : i32
          %dma_wait3A_812 = arith.constant 0 : i32
          %dma_wait3A_813 = tpu.memref_slice %arg4[%dma_wait3A_811, %dma_wait3A_812] : memref<819200x128xf32, #tpu.memory_space<hbm>> -> memref<64x128xf32, #tpu.memory_space<hbm>>
          %dma_wait3A_814 = arith.constant 0 : i32
          %dma_wait3A_815 = arith.constant 0 : i32
          %dma_wait3A_816 = tpu.memref_slice %arg7[%dma_wait3A_803, %dma_wait3A_814, %dma_wait3A_815] : memref<5x64x128xf32, #tpu.memory_space<vmem>> -> memref<1x64x128xf32, #tpu.memory_space<vmem>>
          %dma_wait3A_817 = tpu.memref_squeeze %dma_wait3A_816 : memref<1x64x128xf32, #tpu.memory_space<vmem>> -> memref<64x128xf32, #tpu.memory_space<vmem>>
          tpu.wait_dma2 semaphore(%arg15 : memref<!tpu.dma_semaphore, #tpu.memory_space<semaphore_mem>>) src(%dma_wait3A_817 : memref<64x128xf32, #tpu.memory_space<vmem>>) dst(%dma_wait3A_813 : memref<64x128xf32, #tpu.memory_space<hbm>>)
        } else {
        }
        %add3A_691 = arith.constant 3 : i32
        %add3A_692 = arith.addi %add3A_605, %add3A_691 : i32
        %jit3A_693 = arith.constant 8 : i32
        %div3A_694 = arith.divsi %add3A_692, %jit3A_693 : i32
        %sign3A_695 = arith.constant 0 : i32
        %sign3A_696 = arith.cmpi sgt, %add3A_692, %sign3A_695 : i32
        %sign3A_697 = arith.extui %sign3A_696 : i1 to i32
        %sign3A_698 = arith.constant 0 : i32
        %sign3A_699 = arith.cmpi slt, %add3A_692, %sign3A_698 : i32
        %sign3A_700 = arith.extui %sign3A_699 : i1 to i32
        %sign3A_701 = arith.subi %sign3A_697, %sign3A_700 : i32
        %sign3A_702 = arith.constant 0 : i32
        %sign3A_703 = arith.cmpi sgt, %jit3A_693, %sign3A_702 : i32
        %sign3A_704 = arith.extui %sign3A_703 : i1 to i32
        %sign3A_705 = arith.constant 0 : i32
        %sign3A_706 = arith.cmpi slt, %jit3A_693, %sign3A_705 : i32
        %sign3A_707 = arith.extui %sign3A_706 : i1 to i32
        %sign3A_708 = arith.subi %sign3A_704, %sign3A_707 : i32
        %ne3A_709 = arith.cmpi ne, %sign3A_701, %sign3A_708 : i32
        %rem3A_710 = arith.remsi %add3A_692, %jit3A_693 : i32
        %ne3A_711 = arith.constant 0 : i32
        %ne3A_712 = arith.cmpi ne, %rem3A_710, %ne3A_711 : i32
        %and3A_713 = arith.andi %ne3A_709, %ne3A_712 : i1
        %sub3A_714 = arith.constant 1 : i32
        %sub3A_715 = arith.subi %div3A_694, %sub3A_714 : i32
        %select_n3A_716 = arith.select %and3A_713, %sub3A_715, %div3A_694 : i32
        %jit3A_717 = arith.constant 8 : i32
        %eq3A_718 = arith.constant 0 : i32
        %eq3A_719 = arith.cmpi eq, %jit3A_717, %eq3A_718 : i32
        %jit3A_720 = arith.constant 1 : i32
        %select_n3A_721 = arith.select %eq3A_719, %jit3A_720, %jit3A_717 : i32
        %rem3A_722 = arith.remsi %add3A_692, %select_n3A_721 : i32
        %ne3A_723 = arith.constant 0 : i32
        %ne3A_724 = arith.cmpi ne, %rem3A_722, %ne3A_723 : i32
        %lt3A_725 = arith.constant 0 : i32
        %lt3A_726 = arith.cmpi slt, %rem3A_722, %lt3A_725 : i32
        %lt3A_727 = arith.constant 0 : i32
        %lt3A_728 = arith.cmpi slt, %select_n3A_721, %lt3A_727 : i32
        %ne3A_729 = arith.xori %lt3A_726, %lt3A_728 : i1
        %and3A_730 = arith.andi %ne3A_729, %ne3A_724 : i1
        %add3A_731 = arith.addi %rem3A_722, %select_n3A_721 : i32
        %select_n3A_732 = arith.select %and3A_730, %add3A_731, %rem3A_722 : i32
        %mul3A_733 = arith.constant 64 : i32
        %mul3A_734 = arith.muli %select_n3A_732, %mul3A_733 : i32
        %iota3A_735 = tpu.iota {dimensions = array<i32: 0>} : vector<16xi32>
        %add3A_736 = arith.constant 0 : i32
        %add3A_737 = arith.addi %mul3A_734, %add3A_736 : i32
        %add3A_738 = vector.broadcast %add3A_737 : i32 to vector<16xi32>
        %add3A_739 = arith.addi %iota3A_735, %add3A_738 : vector<16xi32>
        %broadcast_in_dim3A_740 = arith.constant 0 : i32
        %broadcast_in_dim3A_741 = vector.broadcast %broadcast_in_dim3A_740 : i32 to vector<16xi32>
        %add3A_742 = vector.broadcast %select_n3A_716 : i32 to vector<16xi32>
        %add3A_743 = arith.addi %broadcast_in_dim3A_741, %add3A_742 : vector<16xi32>
        %gather3A_744 = tpu.vector_load_idx %arg5[%add3A_739, %add3A_743] : memref<512x50xi32, #tpu.memory_space<vmem>>[vector<16xi32>, vector<16xi32>], vector<16xi32>,
        %swap3A_745 = arith.constant 2 : i32
        %swap3A_746 = arith.index_cast %swap3A_745 : i32 to index
        %swap3A_747 = arith.constant 0 : index
        %swap3A_748 = tpu.vector_load %arg6[%swap3A_746, %swap3A_747] {strides = array<i32>} : memref<5x64xi32, #tpu.memory_space<vmem>>, vector<16xi32>,
        tpu.vector_store %arg6[%swap3A_746, %swap3A_747], %gather3A_744 {strides = array<i32>} : memref<5x64xi32, #tpu.memory_space<vmem>>, vector<16xi32>,
        %iota3A_749 = tpu.iota {dimensions = array<i32: 0>} : vector<16xi32>
        %add3A_750 = arith.constant 16 : i32
        %add3A_751 = arith.addi %mul3A_734, %add3A_750 : i32
        %add3A_752 = vector.broadcast %add3A_751 : i32 to vector<16xi32>
        %add3A_753 = arith.addi %iota3A_749, %add3A_752 : vector<16xi32>
        %broadcast_in_dim3A_754 = arith.constant 0 : i32
        %broadcast_in_dim3A_755 = vector.broadcast %broadcast_in_dim3A_754 : i32 to vector<16xi32>
        %add3A_756 = vector.broadcast %select_n3A_716 : i32 to vector<16xi32>
        %add3A_757 = arith.addi %broadcast_in_dim3A_755, %add3A_756 : vector<16xi32>
        %gather3A_758 = tpu.vector_load_idx %arg5[%add3A_753, %add3A_757] : memref<512x50xi32, #tpu.memory_space<vmem>>[vector<16xi32>, vector<16xi32>], vector<16xi32>,
        %swap3A_759 = arith.constant 2 : i32
        %swap3A_760 = arith.index_cast %swap3A_759 : i32 to index
        %swap3A_761 = arith.constant 16 : index
        %swap3A_762 = tpu.vector_load %arg6[%swap3A_760, %swap3A_761] {strides = array<i32>} : memref<5x64xi32, #tpu.memory_space<vmem>>, vector<16xi32>,
        tpu.vector_store %arg6[%swap3A_760, %swap3A_761], %gather3A_758 {strides = array<i32>} : memref<5x64xi32, #tpu.memory_space<vmem>>, vector<16xi32>,
        %iota3A_763 = tpu.iota {dimensions = array<i32: 0>} : vector<16xi32>
        %add3A_764 = arith.constant 32 : i32
        %add3A_765 = arith.addi %mul3A_734, %add3A_764 : i32
        %add3A_766 = vector.broadcast %add3A_765 : i32 to vector<16xi32>
        %add3A_767 = arith.addi %iota3A_763, %add3A_766 : vector<16xi32>
        %broadcast_in_dim3A_768 = arith.constant 0 : i32
        %broadcast_in_dim3A_769 = vector.broadcast %broadcast_in_dim3A_768 : i32 to vector<16xi32>
        %add3A_770 = vector.broadcast %select_n3A_716 : i32 to vector<16xi32>
        %add3A_771 = arith.addi %broadcast_in_dim3A_769, %add3A_770 : vector<16xi32>
        %gather3A_772 = tpu.vector_load_idx %arg5[%add3A_767, %add3A_771] : memref<512x50xi32, #tpu.memory_space<vmem>>[vector<16xi32>, vector<16xi32>], vector<16xi32>,
        %swap3A_773 = arith.constant 2 : i32
        %swap3A_774 = arith.index_cast %swap3A_773 : i32 to index
        %swap3A_775 = arith.constant 32 : index
        %swap3A_776 = tpu.vector_load %arg6[%swap3A_774, %swap3A_775] {strides = array<i32>} : memref<5x64xi32, #tpu.memory_space<vmem>>, vector<16xi32>,
        tpu.vector_store %arg6[%swap3A_774, %swap3A_775], %gather3A_772 {strides = array<i32>} : memref<5x64xi32, #tpu.memory_space<vmem>>, vector<16xi32>,
        %iota3A_777 = tpu.iota {dimensions = array<i32: 0>} : vector<16xi32>
        %add3A_778 = arith.constant 48 : i32
        %add3A_779 = arith.addi %mul3A_734, %add3A_778 : i32
        %add3A_780 = vector.broadcast %add3A_779 : i32 to vector<16xi32>
        %add3A_781 = arith.addi %iota3A_777, %add3A_780 : vector<16xi32>
        %broadcast_in_dim3A_782 = arith.constant 0 : i32
        %broadcast_in_dim3A_783 = vector.broadcast %broadcast_in_dim3A_782 : i32 to vector<16xi32>
        %add3A_784 = vector.broadcast %select_n3A_716 : i32 to vector<16xi32>
        %add3A_785 = arith.addi %broadcast_in_dim3A_783, %add3A_784 : vector<16xi32>
        %gather3A_786 = tpu.vector_load_idx %arg5[%add3A_781, %add3A_785] : memref<512x50xi32, #tpu.memory_space<vmem>>[vector<16xi32>, vector<16xi32>], vector<16xi32>,
        %swap3A_787 = arith.constant 2 : i32
        %swap3A_788 = arith.index_cast %swap3A_787 : i32 to index
        %swap3A_789 = arith.constant 48 : index
        %swap3A_790 = tpu.vector_load %arg6[%swap3A_788, %swap3A_789] {strides = array<i32>} : memref<5x64xi32, #tpu.memory_space<vmem>>, vector<16xi32>,
        tpu.vector_store %arg6[%swap3A_788, %swap3A_789], %gather3A_786 {strides = array<i32>} : memref<5x64xi32, #tpu.memory_space<vmem>>, vector<16xi32>,
        %dma_start3A_791 = arith.constant 2 : i32
        %dma_start3A_792 = arith.constant 2 : i32
        %dma_start3A_793 = arith.constant 0 : i32
        %dma_start3A_794 = arith.constant 0 : i32
        %dma_start3A_795 = tpu.memref_slice %arg7[%dma_start3A_792, %dma_start3A_793, %dma_start3A_794] : memref<5x64x128xf32, #tpu.memory_space<vmem>> -> memref<1x64x128xf32, #tpu.memory_space<vmem>>
        %dma_start3A_796 = tpu.memref_squeeze %dma_start3A_795 : memref<1x64x128xf32, #tpu.memory_space<vmem>> -> memref<64x128xf32, #tpu.memory_space<vmem>>
        %dma_start3A_797 = arith.constant 0 : i32
        %dma_start3A_798 = tpu.memref_slice %arg6[%dma_start3A_791, %dma_start3A_797] : memref<5x64xi32, #tpu.memory_space<vmem>> -> memref<1x64xi32, #tpu.memory_space<vmem>>
        %dma_start3A_799 = tpu.memref_squeeze %dma_start3A_798 : memref<1x64xi32, #tpu.memory_space<vmem>> -> memref<64xi32, #tpu.memory_space<vmem>>
        %dma_start3A_800 = arith.constant 0 : i32
        %dma_start3A_801 = arith.constant 0 : i32
        %dma_start3A_802 = tpu.memref_slice %arg2[%dma_start3A_800, %dma_start3A_801] : memref<100000x128xf32, #tpu.memory_space<hbm>> -> memref<100000x128xf32, #tpu.memory_space<hbm>>
        tpu.enqueue_indirect_dma source(%dma_start3A_802 : memref<100000x128xf32, #tpu.memory_space<hbm>>) target(%dma_start3A_796 : memref<64x128xf32, #tpu.memory_space<vmem>>) offsets(%dma_start3A_799 : memref<64xi32, #tpu.memory_space<vmem>>) semaphore(%arg10 : memref<!tpu.dma_semaphore, #tpu.memory_space<semaphore_mem>>)
      } else {
      }
      %dma_wait3A_613 = arith.constant 4 : i32
      %dma_wait3A_614 = arith.constant 0 : i32
      %dma_wait3A_615 = arith.constant 0 : i32
      %dma_wait3A_616 = tpu.memref_slice %arg7[%dma_wait3A_613, %dma_wait3A_614, %dma_wait3A_615] : memref<5x64x128xf32, #tpu.memory_space<vmem>> -> memref<1x64x128xf32, #tpu.memory_space<vmem>>
      %dma_wait3A_617 = tpu.memref_squeeze %dma_wait3A_616 : memref<1x64x128xf32, #tpu.memory_space<vmem>> -> memref<64x128xf32, #tpu.memory_space<vmem>>
      %dma_wait3A_618 = arith.constant 0 : i32
      %dma_wait3A_619 = arith.constant 0 : i32
      %dma_wait3A_620 = tpu.memref_slice %arg4[%dma_wait3A_618, %dma_wait3A_619] : memref<819200x128xf32, #tpu.memory_space<hbm>> -> memref<64x128xf32, #tpu.memory_space<hbm>>
      %dma_wait3A_621 = arith.constant 0 : i32
      %dma_wait3A_622 = arith.constant 0 : i32
      %dma_wait3A_623 = tpu.memref_slice %arg7[%dma_wait3A_613, %dma_wait3A_621, %dma_wait3A_622] : memref<5x64x128xf32, #tpu.memory_space<vmem>> -> memref<1x64x128xf32, #tpu.memory_space<vmem>>
      %dma_wait3A_624 = tpu.memref_squeeze %dma_wait3A_623 : memref<1x64x128xf32, #tpu.memory_space<vmem>> -> memref<64x128xf32, #tpu.memory_space<vmem>>
      %dma_wait3A_625 = arith.constant 0 : i32
      %dma_wait3A_626 = arith.constant 0 : i32
      %dma_wait3A_627 = tpu.memref_slice %arg4[%dma_wait3A_625, %dma_wait3A_626] : memref<819200x128xf32, #tpu.memory_space<hbm>> -> memref<64x128xf32, #tpu.memory_space<hbm>>
      tpu.wait_dma2 semaphore(%arg12 : memref<!tpu.dma_semaphore, #tpu.memory_space<semaphore_mem>>) src(%dma_wait3A_627 : memref<64x128xf32, #tpu.memory_space<hbm>>) dst(%dma_wait3A_624 : memref<64x128xf32, #tpu.memory_space<vmem>>)
      %jit3A_628 = arith.constant 8 : i32
      %div3A_629 = arith.divsi %add3A_605, %jit3A_628 : i32
      %sign3A_630 = arith.constant 0 : i32
      %sign3A_631 = arith.cmpi sgt, %add3A_605, %sign3A_630 : i32
      %sign3A_632 = arith.extui %sign3A_631 : i1 to i32
      %sign3A_633 = arith.constant 0 : i32
      %sign3A_634 = arith.cmpi slt, %add3A_605, %sign3A_633 : i32
      %sign3A_635 = arith.extui %sign3A_634 : i1 to i32
      %sign3A_636 = arith.subi %sign3A_632, %sign3A_635 : i32
      %sign3A_637 = arith.constant 0 : i32
      %sign3A_638 = arith.cmpi sgt, %jit3A_628, %sign3A_637 : i32
      %sign3A_639 = arith.extui %sign3A_638 : i1 to i32
      %sign3A_640 = arith.constant 0 : i32
      %sign3A_641 = arith.cmpi slt, %jit3A_628, %sign3A_640 : i32
      %sign3A_642 = arith.extui %sign3A_641 : i1 to i32
      %sign3A_643 = arith.subi %sign3A_639, %sign3A_642 : i32
      %ne3A_644 = arith.cmpi ne, %sign3A_636, %sign3A_643 : i32
      %rem3A_645 = arith.remsi %add3A_605, %jit3A_628 : i32
      %ne3A_646 = arith.constant 0 : i32
      %ne3A_647 = arith.cmpi ne, %rem3A_645, %ne3A_646 : i32
      %and3A_648 = arith.andi %ne3A_644, %ne3A_647 : i1
      %sub3A_649 = arith.constant 1 : i32
      %sub3A_650 = arith.subi %div3A_629, %sub3A_649 : i32
      %select_n3A_651 = arith.select %and3A_648, %sub3A_650, %div3A_629 : i32
      %jit3A_652 = arith.constant 8 : i32
      %eq3A_653 = arith.constant 0 : i32
      %eq3A_654 = arith.cmpi eq, %jit3A_652, %eq3A_653 : i32
      %jit3A_655 = arith.constant 1 : i32
      %select_n3A_656 = arith.select %eq3A_654, %jit3A_655, %jit3A_652 : i32
      %rem3A_657 = arith.remsi %add3A_605, %select_n3A_656 : i32
      %ne3A_658 = arith.constant 0 : i32
      %ne3A_659 = arith.cmpi ne, %rem3A_657, %ne3A_658 : i32
      %lt3A_660 = arith.constant 0 : i32
      %lt3A_661 = arith.cmpi slt, %rem3A_657, %lt3A_660 : i32
      %lt3A_662 = arith.constant 0 : i32
      %lt3A_663 = arith.cmpi slt, %select_n3A_656, %lt3A_662 : i32
      %ne3A_664 = arith.xori %lt3A_661, %lt3A_663 : i1
      %and3A_665 = arith.andi %ne3A_664, %ne3A_659 : i1
      %add3A_666 = arith.addi %rem3A_657, %select_n3A_656 : i32
      %select_n3A_667 = arith.select %and3A_665, %add3A_666, %rem3A_657 : i32
      %mul3A_668 = arith.constant 64 : i32
      %mul3A_669 = arith.muli %select_n3A_667, %mul3A_668 : i32
      %mul3A_670 = arith.constant 16384 : i32
      %mul3A_671 = arith.muli %select_n3A_651, %mul3A_670 : i32
      %add3A_672 = arith.addi %mul3A_671, %mul3A_2 : i32
      %add3A_673 = arith.addi %add3A_672, %mul3A_669 : i32
      %dma_start3A_674 = arith.constant 4 : i32
      %dma_start3A_675 = arith.constant 0 : i32
      %dma_start3A_676 = arith.constant 0 : i32
      %dma_start3A_677 = tpu.memref_slice %arg7[%dma_start3A_674, %dma_start3A_675, %dma_start3A_676] : memref<5x64x128xf32, #tpu.memory_space<vmem>> -> memref<1x64x128xf32, #tpu.memory_space<vmem>>
      %dma_start3A_678 = tpu.memref_squeeze %dma_start3A_677 : memref<1x64x128xf32, #tpu.memory_space<vmem>> -> memref<64x128xf32, #tpu.memory_space<vmem>>
      %dma_start3A_679 = arith.constant 0 : i32
      %dma_start3A_680 = tpu.memref_slice %arg4[%add3A_673, %dma_start3A_679] : memref<819200x128xf32, #tpu.memory_space<hbm>> -> memref<64x128xf32, #tpu.memory_space<hbm>>
      %dma_start3A_681 = arith.constant 0 : i32
      %dma_start3A_682 = tpu.memref_slice %arg4[%add3A_673, %dma_start3A_681] : memref<819200x128xf32, #tpu.memory_space<hbm>> -> memref<64x128xf32, #tpu.memory_space<hbm>>
      %dma_start3A_683 = arith.constant 0 : i32
      %dma_start3A_684 = arith.constant 0 : i32
      %dma_start3A_685 = tpu.memref_slice %arg7[%dma_start3A_674, %dma_start3A_683, %dma_start3A_684] : memref<5x64x128xf32, #tpu.memory_space<vmem>> -> memref<1x64x128xf32, #tpu.memory_space<vmem>>
      %dma_start3A_686 = tpu.memref_squeeze %dma_start3A_685 : memref<1x64x128xf32, #tpu.memory_space<vmem>> -> memref<64x128xf32, #tpu.memory_space<vmem>>
      tpu.enqueue_dma source(%dma_start3A_686 : memref<64x128xf32, #tpu.memory_space<vmem>>) target(%dma_start3A_682 : memref<64x128xf32, #tpu.memory_space<hbm>>) target_semaphore(%arg17 : memref<!tpu.dma_semaphore, #tpu.memory_space<semaphore_mem>>)
    }
    %scan3A_206 = arith.constant 80 : i32
    %dma_wait3A = arith.constant 0 : i32
    %dma_wait3A_207 = arith.constant 0 : i32
    %dma_wait3A_208 = arith.constant 0 : i32
    %dma_wait3A_209 = tpu.memref_slice %arg7[%dma_wait3A, %dma_wait3A_207, %dma_wait3A_208] : memref<5x64x128xf32, #tpu.memory_space<vmem>> -> memref<1x64x128xf32, #tpu.memory_space<vmem>>
    %dma_wait3A_210 = tpu.memref_squeeze %dma_wait3A_209 : memref<1x64x128xf32, #tpu.memory_space<vmem>> -> memref<64x128xf32, #tpu.memory_space<vmem>>
    %dma_wait3A_211 = arith.constant 0 : i32
    %dma_wait3A_212 = arith.constant 0 : i32
    %dma_wait3A_213 = tpu.memref_slice %arg4[%dma_wait3A_211, %dma_wait3A_212] : memref<819200x128xf32, #tpu.memory_space<hbm>> -> memref<64x128xf32, #tpu.memory_space<hbm>>
    %dma_wait3A_214 = arith.constant 0 : i32
    %dma_wait3A_215 = arith.constant 0 : i32
    %dma_wait3A_216 = tpu.memref_slice %arg4[%dma_wait3A_214, %dma_wait3A_215] : memref<819200x128xf32, #tpu.memory_space<hbm>> -> memref<64x128xf32, #tpu.memory_space<hbm>>
    %dma_wait3A_217 = arith.constant 0 : i32
    %dma_wait3A_218 = arith.constant 0 : i32
    %dma_wait3A_219 = tpu.memref_slice %arg7[%dma_wait3A, %dma_wait3A_217, %dma_wait3A_218] : memref<5x64x128xf32, #tpu.memory_space<vmem>> -> memref<1x64x128xf32, #tpu.memory_space<vmem>>
    %dma_wait3A_220 = tpu.memref_squeeze %dma_wait3A_219 : memref<1x64x128xf32, #tpu.memory_space<vmem>> -> memref<64x128xf32, #tpu.memory_space<vmem>>
    tpu.wait_dma2 semaphore(%arg13 : memref<!tpu.dma_semaphore, #tpu.memory_space<semaphore_mem>>) src(%dma_wait3A_220 : memref<64x128xf32, #tpu.memory_space<vmem>>) dst(%dma_wait3A_216 : memref<64x128xf32, #tpu.memory_space<hbm>>)
    %dma_wait3A_221 = arith.constant 1 : i32
    %dma_wait3A_222 = arith.constant 0 : i32
    %dma_wait3A_223 = arith.constant 0 : i32
    %dma_wait3A_224 = tpu.memref_slice %arg7[%dma_wait3A_221, %dma_wait3A_222, %dma_wait3A_223] : memref<5x64x128xf32, #tpu.memory_space<vmem>> -> memref<1x64x128xf32, #tpu.memory_space<vmem>>
    %dma_wait3A_225 = tpu.memref_squeeze %dma_wait3A_224 : memref<1x64x128xf32, #tpu.memory_space<vmem>> -> memref<64x128xf32, #tpu.memory_space<vmem>>
    %dma_wait3A_226 = arith.constant 0 : i32
    %dma_wait3A_227 = arith.constant 0 : i32
    %dma_wait3A_228 = tpu.memref_slice %arg4[%dma_wait3A_226, %dma_wait3A_227] : memref<819200x128xf32, #tpu.memory_space<hbm>> -> memref<64x128xf32, #tpu.memory_space<hbm>>
    %dma_wait3A_229 = arith.constant 0 : i32
    %dma_wait3A_230 = arith.constant 0 : i32
    %dma_wait3A_231 = tpu.memref_slice %arg4[%dma_wait3A_229, %dma_wait3A_230] : memref<819200x128xf32, #tpu.memory_space<hbm>> -> memref<64x128xf32, #tpu.memory_space<hbm>>
    %dma_wait3A_232 = arith.constant 0 : i32
    %dma_wait3A_233 = arith.constant 0 : i32
    %dma_wait3A_234 = tpu.memref_slice %arg7[%dma_wait3A_221, %dma_wait3A_232, %dma_wait3A_233] : memref<5x64x128xf32, #tpu.memory_space<vmem>> -> memref<1x64x128xf32, #tpu.memory_space<vmem>>
    %dma_wait3A_235 = tpu.memref_squeeze %dma_wait3A_234 : memref<1x64x128xf32, #tpu.memory_space<vmem>> -> memref<64x128xf32, #tpu.memory_space<vmem>>
    tpu.wait_dma2 semaphore(%arg14 : memref<!tpu.dma_semaphore, #tpu.memory_space<semaphore_mem>>) src(%dma_wait3A_235 : memref<64x128xf32, #tpu.memory_space<vmem>>) dst(%dma_wait3A_231 : memref<64x128xf32, #tpu.memory_space<hbm>>)
    %dma_wait3A_236 = arith.constant 2 : i32
    %dma_wait3A_237 = arith.constant 0 : i32
    %dma_wait3A_238 = arith.constant 0 : i32
    %dma_wait3A_239 = tpu.memref_slice %arg7[%dma_wait3A_236, %dma_wait3A_237, %dma_wait3A_238] : memref<5x64x128xf32, #tpu.memory_space<vmem>> -> memref<1x64x128xf32, #tpu.memory_space<vmem>>
    %dma_wait3A_240 = tpu.memref_squeeze %dma_wait3A_239 : memref<1x64x128xf32, #tpu.memory_space<vmem>> -> memref<64x128xf32, #tpu.memory_space<vmem>>
    %dma_wait3A_241 = arith.constant 0 : i32
    %dma_wait3A_242 = arith.constant 0 : i32
    %dma_wait3A_243 = tpu.memref_slice %arg4[%dma_wait3A_241, %dma_wait3A_242] : memref<819200x128xf32, #tpu.memory_space<hbm>> -> memref<64x128xf32, #tpu.memory_space<hbm>>
    %dma_wait3A_244 = arith.constant 0 : i32
    %dma_wait3A_245 = arith.constant 0 : i32
    %dma_wait3A_246 = tpu.memref_slice %arg4[%dma_wait3A_244, %dma_wait3A_245] : memref<819200x128xf32, #tpu.memory_space<hbm>> -> memref<64x128xf32, #tpu.memory_space<hbm>>
    %dma_wait3A_247 = arith.constant 0 : i32
    %dma_wait3A_248 = arith.constant 0 : i32
    %dma_wait3A_249 = tpu.memref_slice %arg7[%dma_wait3A_236, %dma_wait3A_247, %dma_wait3A_248] : memref<5x64x128xf32, #tpu.memory_space<vmem>> -> memref<1x64x128xf32, #tpu.memory_space<vmem>>
    %dma_wait3A_250 = tpu.memref_squeeze %dma_wait3A_249 : memref<1x64x128xf32, #tpu.memory_space<vmem>> -> memref<64x128xf32, #tpu.memory_space<vmem>>
    tpu.wait_dma2 semaphore(%arg15 : memref<!tpu.dma_semaphore, #tpu.memory_space<semaphore_mem>>) src(%dma_wait3A_250 : memref<64x128xf32, #tpu.memory_space<vmem>>) dst(%dma_wait3A_246 : memref<64x128xf32, #tpu.memory_space<hbm>>)
    %dma_wait3A_251 = arith.constant 3 : i32
    %dma_wait3A_252 = arith.constant 0 : i32
    %dma_wait3A_253 = arith.constant 0 : i32
    %dma_wait3A_254 = tpu.memref_slice %arg7[%dma_wait3A_251, %dma_wait3A_252, %dma_wait3A_253] : memref<5x64x128xf32, #tpu.memory_space<vmem>> -> memref<1x64x128xf32, #tpu.memory_space<vmem>>
    %dma_wait3A_255 = tpu.memref_squeeze %dma_wait3A_254 : memref<1x64x128xf32, #tpu.memory_space<vmem>> -> memref<64x128xf32, #tpu.memory_space<vmem>>
    %dma_wait3A_256 = arith.constant 0 : i32
    %dma_wait3A_257 = arith.constant 0 : i32
    %dma_wait3A_258 = tpu.memref_slice %arg4[%dma_wait3A_256, %dma_wait3A_257] : memref<819200x128xf32, #tpu.memory_space<hbm>> -> memref<64x128xf32, #tpu.memory_space<hbm>>
    %dma_wait3A_259 = arith.constant 0 : i32
    %dma_wait3A_260 = arith.constant 0 : i32
    %dma_wait3A_261 = tpu.memref_slice %arg4[%dma_wait3A_259, %dma_wait3A_260] : memref<819200x128xf32, #tpu.memory_space<hbm>> -> memref<64x128xf32, #tpu.memory_space<hbm>>
    %dma_wait3A_262 = arith.constant 0 : i32
    %dma_wait3A_263 = arith.constant 0 : i32
    %dma_wait3A_264 = tpu.memref_slice %arg7[%dma_wait3A_251, %dma_wait3A_262, %dma_wait3A_263] : memref<5x64x128xf32, #tpu.memory_space<vmem>> -> memref<1x64x128xf32, #tpu.memory_space<vmem>>
    %dma_wait3A_265 = tpu.memref_squeeze %dma_wait3A_264 : memref<1x64x128xf32, #tpu.memory_space<vmem>> -> memref<64x128xf32, #tpu.memory_space<vmem>>
    tpu.wait_dma2 semaphore(%arg16 : memref<!tpu.dma_semaphore, #tpu.memory_space<semaphore_mem>>) src(%dma_wait3A_265 : memref<64x128xf32, #tpu.memory_space<vmem>>) dst(%dma_wait3A_261 : memref<64x128xf32, #tpu.memory_space<hbm>>)
    %dma_wait3A_266 = arith.constant 4 : i32
    %dma_wait3A_267 = arith.constant 0 : i32
    %dma_wait3A_268 = arith.constant 0 : i32
    %dma_wait3A_269 = tpu.memref_slice %arg7[%dma_wait3A_266, %dma_wait3A_267, %dma_wait3A_268] : memref<5x64x128xf32, #tpu.memory_space<vmem>> -> memref<1x64x128xf32, #tpu.memory_space<vmem>>
    %dma_wait3A_270 = tpu.memref_squeeze %dma_wait3A_269 : memref<1x64x128xf32, #tpu.memory_space<vmem>> -> memref<64x128xf32, #tpu.memory_space<vmem>>
    %dma_wait3A_271 = arith.constant 0 : i32
    %dma_wait3A_272 = arith.constant 0 : i32
    %dma_wait3A_273 = tpu.memref_slice %arg4[%dma_wait3A_271, %dma_wait3A_272] : memref<819200x128xf32, #tpu.memory_space<hbm>> -> memref<64x128xf32, #tpu.memory_space<hbm>>
    %dma_wait3A_274 = arith.constant 0 : i32
    %dma_wait3A_275 = arith.constant 0 : i32
    %dma_wait3A_276 = tpu.memref_slice %arg4[%dma_wait3A_274, %dma_wait3A_275] : memref<819200x128xf32, #tpu.memory_space<hbm>> -> memref<64x128xf32, #tpu.memory_space<hbm>>
    %dma_wait3A_277 = arith.constant 0 : i32
    %dma_wait3A_278 = arith.constant 0 : i32
    %dma_wait3A_279 = tpu.memref_slice %arg7[%dma_wait3A_266, %dma_wait3A_277, %dma_wait3A_278] : memref<5x64x128xf32, #tpu.memory_space<vmem>> -> memref<1x64x128xf32, #tpu.memory_space<vmem>>
    %dma_wait3A_280 = tpu.memref_squeeze %dma_wait3A_279 : memref<1x64x128xf32, #tpu.memory_space<vmem>> -> memref<64x128xf32, #tpu.memory_space<vmem>>
    tpu.wait_dma2 semaphore(%arg17 : memref<!tpu.dma_semaphore, #tpu.memory_space<semaphore_mem>>) src(%dma_wait3A_280 : memref<64x128xf32, #tpu.memory_space<vmem>>) dst(%dma_wait3A_276 : memref<64x128xf32, #tpu.memory_space<hbm>>)
    return
  }
}

</mosaic_0001>

<sc_bundles>
// kernel: kernel.3.cloned.1.call-start
scs
__scs_entry_jumppad:
0x0: {  	(pc) =	sbr.rel $0x88, $3  }
0x1: {  	(tag) =	ssettag $0x0;
	lr =	simm.s32 $0x1  }
0x2: {  	[smem:$0x3F9F] =	sst lr;
	_ =	strace $0xD0000000  }
0x3: {  	_ = 	snop  }
0x4: {  	_ = 	snop  }
0x5: {  	_ = 	snop  }
0x6: {  	_ = 	snop  }
0x7: {  	_ = 	snop  }
__scs_overlays_trampoline_lowered:
0x8: {  	[smem:$0x3FAE] =	sst s0  }
0x9: {  	[smem:$0x3FAF] =	sst s1  }
0xa: {  	[smem:$0x3FB0] =	sst s2  }
0xb: {  	[smem:$0x3FB1] =	sst s3  }
0xc: {  	[smem:$0x3FB2] =	sst s4  }
0xd: {  	[smem:$0x3FB3] =	sst s5  }
0xe: {  	[smem:$0x3FB4] =	sst s6  }
0xf: {  	[smem:$0x3FB5] =	sst s7  }
0x10: {  	[smem:$0x3FB6] =	sst s8  }
0x11: {  	[smem:$0x3FB7] =	sst s9;
	s0 =	simm.s32 @!p0 $0x0  }
0x12: {  	s1 =	sld [smem:$0x3F9D];
	s0 =	simm.s32 @p0 $0x1  }
0x13: {  	[smem:$0x3FB8] =	sst s0;
	s0 =	simm.s32 @!p1 $0x0  }
0x14: {  	s2 =	sld [smem:$0x3F9C];
	s0 =	simm.s32 @p1 $0x1  }
0x15: {  	[smem:$0x3FB9] =	sst s0;
	s0 =	simm.s32 @!p2 $0x0  }
0x16: {  	s3 =	sld [smem:$0x3FDB];
	s0 =	simm.s32 @p2 $0x1  }
0x17: {  	s4 =	simm.s32 $0x1BF5;
	[smem:$0x3FBB] =	sst s0  }
0x18: {  	s0 =	sld [smem:$0x3F9E];
	_ =	swait.ge [sflag:s4], $0x0  }
0x19: {  	s7 =	sld [smem:$0x3F9F]  }
0x1a: {  	s8 =	sadd.s32 $0xFFFFE003, lr  }
0x1b: {  	s9 =	sadd.s32 $0xFFFFFEF7, lr;
	s5 =	simm.s32 $0xFFFFFFFF;
	p2 =	slt.u32 s8, $0xFFFFF086  }
0x1c: {  	p1 =	slt.u32 s9, $0xF7A;
	s5 =	simm.s32 @!p2 $0x0  }
0x1d: {  	s5 =	simm.s32 @p1 $0x1;
	p0 =	seq.s32 s7, s2  }
0x1e: {  	s7 =	smul.u32 @!p0 $0xF7A, s2;
	p2 =	seq.s32 @!p0 s5, $0x0  }
0x1f: {  	s9 =	smul.u32 $0xF7A, s1;
	s8 =	simm.s32 @!p0 $0x1BF5;
	p2 =	por !p2, p0  }
0x20: {  	[sflag:s8] =	ssyncset.s32 @!p0 $0xFFFFF086;
	s6 =	sadd.s32 @!p0 s3, s7;
	s7 =	simm.s32 @!p0 $0x108  }
0x21: {  	s3 =	sadd.s32 s3, s9;
	s6 =	sadd.s32 @!p0 $0x88, s6;
	s7 =	simm.s32 @p2 $0x1082  }
0x22: {  	[simem:s7], [sflag:s8] =	dma.local @!p0 [hbm:s6], $0xF7A  }
0x23: {  	s9 =	sor.u32 $0xD0000000, s2;
	s6 =	simm.s32 $0x108;
	_ =	swait.ge @!p0 [sflag:s8], $0x0  }
0x24: {  	s3 =	sadd.s32 $0x88, s3;
	s6 =	simm.s32 @!p1 $0x1082;
	[sflag:s4] =	ssyncset.s32 $0xFFFFF086  }
0x25: {  	[simem:s6], [sflag:s4] =	dma.local [hbm:s3], $0xF7A  }
0x26: {  	[smem:$0x3F9F] =	sst s1;
	(tag) =	ssettag s2;
	_ =	strace s9  }
0x27: {  	s1 =	sld [smem:$0x3FAF]  }
0x28: {  	s2 =	sld [smem:$0x3FB0]  }
0x29: {  	s4 =	sld [smem:$0x3FB2]  }
0x2a: {  	p0 =	seq.s32 s5, $0x0;
	s5 =	sld [smem:$0x3FB3]  }
0x2b: {  	s6 =	sld [smem:$0x3FB4]  }
0x2c: {  	s7 =	sld [smem:$0x3FB5]  }
0x2d: {  	s3 =	simm.s32 $0x108;
	s8 =	sld [smem:$0x3FB6]  }
0x2e: {  	s3 =	simm.s32 @!p0 $0x1082;
	s9 =	sld [smem:$0x3FB7]  }
0x2f: {  	lr =	sadd.s32 s0, s3;
	s0 =	sld [smem:$0x3FAE]  }
0x30: {  	s3 =	sld [smem:$0x3FB1]  }
0x31: {  	[smem:$0x3FBA] =	sst s10  }
0x32: {  	s10 =	sld [smem:$0x3FB8];
	_ =	sdelay $0x3  }
0x33: {  	p0 =	seq.s32 s10, $0x1;
	s10 =	sld [smem:$0x3FBA];
	_ =	sdelay $0x3  }
0x34: {  	[smem:$0x3FBA] =	sst s10  }
0x35: {  	s10 =	sld [smem:$0x3FB9];
	_ =	sdelay $0x3  }
0x36: {  	p1 =	seq.s32 s10, $0x1;
	s10 =	sld [smem:$0x3FBA];
	_ =	sdelay $0x3  }
0x37: {  	[smem:$0x3FBA] =	sst s10  }
0x38: {  	s10 =	sld [smem:$0x3FBB]  }
0x39: {  	_ = 	snop;
	(pc) =	sbr.ind lr, $3  }
0x3a: {  	_ = 	snop  }
0x3b: {  	_ = 	snop  }
0x3c: {  	p2 =	seq.s32 s10, $0x1;
	s10 =	sld [smem:$0x3FBA]  }
0x3d: {  	_ =	shalt  }
0x3e: {  	_ =	shalt  }
0x3f: {  	_ =	shalt  }
0x40: {  	_ =	shalt  }
0x41: {  	_ =	shalt  }
0x42: {  	_ =	shalt  }
0x43: {  	_ =	shalt  }
0x44: {  	_ =	shalt  }
0x45: {  	_ =	shalt  }
0x46: {  	_ =	shalt  }
0x47: {  	_ =	shalt  }
0x48: {  	_ =	shalt  }
0x49: {  	_ =	shalt  }
0x4a: {  	_ =	shalt  }
0x4b: {  	_ =	shalt  }
0x4c: {  	_ =	shalt  }
0x4d: {  	_ =	shalt  }
0x4e: {  	_ =	shalt  }
0x4f: {  	_ =	shalt  }
0x50: {  	_ =	shalt  }
0x51: {  	_ =	shalt  }
0x52: {  	_ =	shalt  }
0x53: {  	_ =	shalt  }
0x54: {  	_ =	shalt  }
0x55: {  	_ =	shalt  }
0x56: {  	_ =	shalt  }
0x57: {  	_ =	shalt  }
0x58: {  	_ =	shalt  }
0x59: {  	_ =	shalt  }
0x5a: {  	_ =	shalt  }
0x5b: {  	_ =	shalt  }
0x5c: {  	_ =	shalt  }
0x5d: {  	_ =	shalt  }
0x5e: {  	_ =	shalt  }
0x5f: {  	_ =	shalt  }
0x60: {  	_ =	shalt  }
0x61: {  	_ =	shalt  }
0x62: {  	_ =	shalt  }
0x63: {  	_ =	shalt  }
0x64: {  	_ =	shalt  }
0x65: {  	_ =	shalt  }
0x66: {  	_ =	shalt  }
0x67: {  	_ =	shalt  }
0x68: {  	_ =	shalt  }
0x69: {  	_ =	shalt  }
0x6a: {  	_ =	shalt  }
0x6b: {  	_ =	shalt  }
0x6c: {  	_ =	shalt  }
0x6d: {  	_ =	shalt  }
0x6e: {  	_ =	shalt  }
0x6f: {  	_ =	shalt  }
0x70: {  	_ =	shalt  }
0x71: {  	_ =	shalt  }
0x72: {  	_ =	shalt  }
0x73: {  	_ =	shalt  }
0x74: {  	_ =	shalt  }
0x75: {  	_ =	shalt  }
0x76: {  	_ =	shalt  }
0x77: {  	_ =	shalt  }
0x78: {  	_ =	shalt  }
0x79: {  	_ =	shalt  }
0x7a: {  	_ =	shalt  }
0x7b: {  	_ =	shalt  }
0x7c: {  	_ =	shalt  }
0x7d: {  	_ =	shalt  }
0x7e: {  	_ =	shalt  }
0x7f: {  	_ =	shalt  }
0x80: {  	_ =	shalt  }
0x81: {  	_ =	shalt  }
0x82: {  	_ =	shalt  }
0x83: {  	_ =	shalt  }
0x84: {  	_ =	shalt  }
0x85: {  	_ =	shalt  }
0x86: {  	_ =	shalt  }
0x87: {  	_ =	shalt  }
.Lfunc_end0:
.L_simem_size_0:
called_computation_lowered:
.L_overlay_start_0:
0x88: {  	s2 =	sld [smem:$0x3FD9]  }
0x89: {  	s3 =	sld [smem:$0x3FFE];
	_ =	sdelay $0x1  }
0x8a: {  	s1 =	srdreg.scid  }
0x8b: {  	s0 =	sand.u32 $0x1, s1  }
0x8c: {  	s17 =	sshll.u32 s0, $0xA;
	s2 =	sadd.s32 s3, s2  }
0x8d: {  	s2 =	sadd.s32 s2, s17  }
0x8e: {  	[smem:$0x3FC6] =	sst s2  }
0x8f: {  	_ = 	snop  }
0x90: {  	s2 =	sld [smem:$0x3FC8]  }
0x91: {  	s18 =	sld [smem:$0x3FD0];
	(tm) =	ssettm $0x1  }
0x92: {  	s4 =	sld [smem:$0x3FFB];
	_ =	sdelay $0x3  }
0x93: {  	_ =	strace s4  }
0x94: {  	s4 =	sld [smem:$0x3FFC];
	_ =	sdelay $0x3  }
0x95: {  	_ =	strace s4  }
0x96: {  	s4 =	sld [smem:$0x3FFD];
	_ =	sdelay $0x3  }
0x97: {  	_ =	strace s4  }
0x98: {  	_ =	strace $0x8FFFFFFF  }
0x99: {  	s19 =	sld [smem:$0x3FDB];
	_ =	sdelay $0x1  }
0x9a: {  	s5 =	simm.s32 $_scs_section_size  }
0x9b: {  	s6 =	simm.s32 $_size__tile_overlayer_lowered;
	s7 =	simm.s32 $_tile_overlayer_lowered  }
0x9c: {  	s22 =	simm.s32 $0x1BFF;
	s21 =	sshll.u32 s7, $0x1;
	s4 =	sadd.s32 s5, s19  }
0x9d: {  	s8 =	simm.s32 $0x0;
	s20 =	sshll.u32 s6, $0x1;
	s6 =	sadd.s32 s21, s4  }
0x9e: {  	[timem:s8], [sflag:s22] =	dma.local [hbm:s6], s20  }
0x9f: {  	_ =	swait.ge [sflag:s22], s20  }
0xa0: {  	s5 =	ssub.s32 $0x0, s20;
	[sflag:s22] =	ssyncset.done $0x0  }
0xa1: {  	[sflag:s22] =	ssyncadd.s32 s5;
	_ =	sdelay $0x1  }
0xa2: {  	s23 =	simm.s32 $0x1B8B  }
0xa3: {  	_ =	swait.ge [sflag:s23], $0x1  }
0xa4: {  	[sflag:s23] =	ssyncset.done $0x0  }
0xa5: {  	s25 =	simm.s32 $0x1B8E;
	s24 =	sld [smem:$0x3FFE];
	[sflag:s23] =	ssyncadd.s32 $0xFFFFFFFF  }
0xa6: {  	s26 =	simm.s32 $execute0_lowered;
	[smem:$0x3FD2] =	sst s25  }
0xa7: {  	s6 =	sshll.u32 s26, $0x1;
	_ =	strace $0x80000046;
	[dreg:$0x1] =	wrdreg $0xFFFFFFFF  }
0xa8: {  	s28 =	simm.s32 $_size_execute0_lowered;
	s4 =	sadd.s32 s4, s6;
	[dreg:$0x0] =	wrdreg $0x0  }
0xa9: {  	s6 =	sshll.u32 s28, $0x1;
	[dreg:$0x2] =	wrdreg s4  }
0xaa: {  	[dreg:$0x3] =	wrdreg s6  }
0xab: {  	[dreg:$0x4] =	wrdreg $0xC0  }
0xac: {  	_ =	task [dreg:s8], $0x5FFFF  }
0xad: {  	[dreg:$0x1] =	wrdreg $0xFFFFFFFF  }
0xae: {  	[dreg:$0x0] =	wrdreg $0x60  }
0xaf: {  	[dreg:$0x2] =	wrdreg s2  }
0xb0: {  	[dreg:$0x3] =	wrdreg s24  }
0xb1: {  	[dreg:$0x4] =	wrdreg s18  }
0xb2: {  	[dreg:$0x5] =	wrdreg $0x9  }
0xb3: {  	_ =	task.clear_ibuf [dreg:s8], $0x6FFFF;
	_ =	strace $0x90000046  }
0xb4: {  	s29 =	simm.s32 $0x9;
	_ =	strace $0x80000048  }
0xb5: {  	_ =	swait.ge [sflag:s29], $0x1  }
0xb6: {  	[sflag:s29] =	ssyncadd.s32 $0xFFFFFFFF  }
0xb7: {  	_ =	strace $0x90000048  }
0xb8: {  	_ =	sfence  }
0xb9: {  	s30 =	sld [smem:$0x0];
	_ =	sdelay $0x2  }
0xba: {  	s31 =	sshll.u32 s1, $0xD;
	s1 =	sshrl.u32 s1, $0x2  }
0xbb: {  	s3 =	sand.u32 $0x4000, s31;
	s1 =	sadd.s32 s1, s30  }
0xbc: {  	s0 =	sor.u32 s3, s0;
	s1 =	sshll.u32 s1, $0x11  }
0xbd: {  	s0 =	sor.u32 s1, s0  }
0xbe: {  	s0 =	sadd.s32 $0x8F2B, s0  }
0xbf: {  	[sflag:s0] =	ssyncadd.remote.s32 $0x1  }
0xc0: {  	_ =	sfence.sel $0xFFFF  }
0xc1: {  	[dreg:$0x0] =	wrdreg $0xFFFFFFFF;
	(pc) =	sbr.abs _section_cstart, $3  }
0xc2: {  	[dreg:$0x1] =	wrdreg $0xFFFFFFFF  }
0xc3: {  	_ =	task.clear_ibuf [dreg:s8], $0x2FFFF;
	_ =	strace $0x9FFFFFFF  }
0xc4: {  	(tm) =	ssettm $0x7FFFFFFF  }
0xc5: {  	_ =	shalt  }
tec
execute0_lowered:
.L_overlay_start_1:
0x0: {  	(tag) =	ssettag $0x1  }
0x1: {  	s2 =	rddreg [dreg:$0x0]  }
0x2: {  	s0 =	rddreg [dreg:$0x1];
	s1 =	srdreg.scid  }
0x3: {  	s3 =	rddreg [dreg:$0x2];
	s4 =	stileid.u32;
	s9 =	simm.s32 $0x40  }
0x4: {  	s30 =	simm.s32 $0x10180;
	s16 =	simm.s32 $0x16400;
	s17 =	simm.s32 $0x1  }
0x5: {  	s31 =	simm.s32 $0x10200;
	s18 =	simm.s32 $0x18400;
	s19 =	simm.s32 $0x2  }
0x6: {  	s20 =	simm.s32 $0x3;
	s21 =	simm.s32 $0x4;
	s22 =	simm.s32 $0x5  }
0x7: {  	v0 =	vlaneseq.u32;
	s1 =	sand.u32 $0x1, s1;
	s5 =	sshll.u32 s4, $0xA;
	s4 =	simm.s32 $0x0  }
0x8: {  	v0 =	vmul.u32 $0x80, v0;
	s6 =	sshll.u32 s1, $0x9;
	s1 =	ssub.s32 $0x2, s1;
	[smem:$0x7FF] =	sst s4  }
0x9: {  	s5 =	sor.u32 s6, s5;
	s7 =	sshrl.u32 s1, $0x1;
	_ =	strace $0x80000047  }
0xa: {  	[dreg:$0x4] =	wrdreg s30;
	v1 =	vor.u32 $0x800, v0;
	v2 =	vor.u32 $0x1000, v0;
	s6 =	sshll.u32 s5, $0x4;
	s1 =	ssub.s32 s1, s7  }
0xb: {  	[dreg:$0x5] =	wrdreg s31;
	v3 =	vor.u32 $0x1800, v0;
	v4 =	vor.u32 $0x2000, v0;
	v5 =	vor.u32 $0x2800, v0;
	s0 =	sadd.s32 s6, s0;
	s29 =	smax.u32 s1, $0x1  }
0xc: {  	s13 =	simm.s32 $0x10400;
	v6 =	vor.u32 $0x3000, v0;
	v7 =	vor.u32 $0x3800, v0;
	v8 =	vor.u32 $0x4000, v0;
	s0 =	sadd.s32 $0x400, s0;
	[dreg:$0x7] =	wrdreg s29  }
0xd: {  	s15 =	simm.s32 $0x14400;
	v9 =	vor.u32 $0x4800, v0;
	v10 =	vor.u32 $0x5000, v0;
	v11 =	vor.u32 $0x5800, v0;
	s6 =	simm.s32 $0x0;
	[dreg:$0x6] =	wrdreg s0  }
.LBB2_1:
0xe: {  	[dreg:$0x8] =	wrdreg s6  }
0xf: {  	s0 =	rddreg [dreg:$0x6];
	s29 =	simm.s32 $0xB  }
0x10: {  	[tilespmem:s4], [sflag:$0xB] =	stream.linear.gather [hbm4b:s0+s4], $0x10000, $0x38;
	[tilespmem:$0x1A400] =	vst v63  }
0x11: {  	_ =	swait.ge [sflag:s29], $0x10000  }
0x12: {  	[sflag:s29] =	ssyncset.done $0x0  }
0x13: {  	[sflag:s29] =	ssyncadd.s32 $0xFFFF0000  }
0x14: {  	v12 =	vld.idx.msk [tilespmem:v0+s4+$0x0], $0xffff;
	_ =	sdelay $0x4  }
0x15: {  	[tilespmem:$0x10000] =	vst v12  }
0x16: {  	v12 =	vld.idx.msk [tilespmem:v1+s4+$0x0], $0xffff;
	_ =	sdelay $0x4  }
0x17: {  	[tilespmem:$0x10010] =	vst v12  }
0x18: {  	v12 =	vld.idx.msk [tilespmem:v2+s4+$0x0], $0xffff;
	_ =	sdelay $0x4  }
0x19: {  	[tilespmem:$0x10020] =	vst v12  }
0x1a: {  	v12 =	vld.idx.msk [tilespmem:v3+s4+$0x0], $0xffff;
	_ =	sdelay $0x4  }
0x1b: {  	s1 =	simm.s32 $0x10000;
	s8 =	simm.s32 $0x10400;
	[tilespmem:$0x10030] =	vst v12  }
0x1c: {  	[tilespmem:s8], [sflag:$0x1] =	stream.indirect.gather [hbm4b:s2+s9], $0x80, s1, s9, $0xb8;
	[tilespmem:$0x1A400] =	vst v63  }
0x1d: {  	v12 =	vld.idx.msk [tilespmem:v4+s4+$0x0], $0xffff;
	_ =	sdelay $0x4  }
0x1e: {  	[tilespmem:$0x10080] =	vst v12  }
0x1f: {  	v12 =	vld.idx.msk [tilespmem:v5+s4+$0x0], $0xffff;
	_ =	sdelay $0x4  }
0x20: {  	[tilespmem:$0x10090] =	vst v12  }
0x21: {  	v12 =	vld.idx.msk [tilespmem:v6+s4+$0x0], $0xffff;
	_ =	sdelay $0x4  }
0x22: {  	[tilespmem:$0x100A0] =	vst v12  }
0x23: {  	v12 =	vld.idx.msk [tilespmem:v7+s4+$0x0], $0xffff;
	_ =	sdelay $0x4  }
0x24: {  	s6 =	simm.s32 $0x10080;
	s11 =	simm.s32 $0x12400;
	[tilespmem:$0x100B0] =	vst v12  }
0x25: {  	[tilespmem:s11], [sflag:$0x2] =	stream.indirect.gather [hbm4b:s2+s9], $0x80, s6, s9, $0xb8;
	[tilespmem:$0x1A400] =	vst v63  }
0x26: {  	v12 =	vld.idx.msk [tilespmem:v8+s4+$0x0], $0xffff;
	_ =	sdelay $0x4  }
0x27: {  	[tilespmem:$0x10100] =	vst v12  }
0x28: {  	v12 =	vld.idx.msk [tilespmem:v9+s4+$0x0], $0xffff;
	_ =	sdelay $0x4  }
0x29: {  	[tilespmem:$0x10110] =	vst v12  }
0x2a: {  	v12 =	vld.idx.msk [tilespmem:v10+s4+$0x0], $0xffff;
	_ =	sdelay $0x4  }
0x2b: {  	[tilespmem:$0x10120] =	vst v12  }
0x2c: {  	v12 =	vld.idx.msk [tilespmem:v11+s4+$0x0], $0xffff  }
0x2d: {  	s7 =	simm.s32 $0xC0  }
0x2e: {  	s1 =	sand.u32 $0x1C0, s7  }
0x2f: {  	s10 =	simm.s32 $0x0;
	v13 =	vmov s1  }
0x30: {  	v14 =	vmov s10;
	v13 =	vshll.u32 v13, $0x7  }
0x31: {  	[tilespmem:$0x10130] =	vst v12;
	v12 =	vor.u32 v0, v13;
	v13 =	vand.u32 $0x80, v14  }
0x32: {  	s12 =	simm.s32 $0x10100;
	p0 =	por $0x1, $0x1;
	v14 =	vand.u32 $0x7F, v14;
	v12 =	vadd.s32 v13, v12  }
0x33: {  	s23 =	simm.s32 $0x14400;
	s14 =	sor.u32 $0x10, s1;
	s6 =	simm.s32 @!p0 $0x9;
	v12 =	vor.u32 v14, v12  }
0x34: {  	[tilespmem:s23], [sflag:$0x3] =	stream.indirect.gather [hbm4b:s2+s9], $0x80, s12, s9, $0xb8;
	[tilespmem:$0x1A400] =	vst v63  }
0x35: {  	v15 =	vmov s14;
	_ =	swait.ge @!p0 [sflag:s6], $0x2000  }
0x36: {  	v15 =	vshll.u32 v15, $0x7;
	[sflag:s6] =	ssyncset.done @!p0 $0x0  }
0x37: {  	v15 =	vor.u32 v0, v15;
	[sflag:s6] =	ssyncadd.s32 @!p0 $0xFFFFE000  }
0x38: {  	v15 =	vadd.s32 v13, v15;
	v12 =	vld.idx.msk [tilespmem:v12+s4+$0x0], $0xffff  }
0x39: {  	v15 =	vor.u32 v14, v15  }
0x3a: {  	s24 =	sor.u32 $0x20, s1  }
0x3b: {  	v16 =	vmov s24  }
0x3c: {  	v16 =	vshll.u32 v16, $0x7  }
0x3d: {  	v16 =	vor.u32 v0, v16;
	[tilespmem:$0x10180] =	vst v12  }
0x3e: {  	v12 =	vadd.s32 v13, v16;
	v15 =	vld.idx.msk [tilespmem:v15+s4+$0x0], $0xffff  }
0x3f: {  	v12 =	vor.u32 v14, v12  }
0x40: {  	s25 =	sor.u32 $0x30, s1  }
0x41: {  	v16 =	vmov s25  }
0x42: {  	v16 =	vshll.u32 v16, $0x7  }
0x43: {  	v16 =	vor.u32 v0, v16;
	[tilespmem:$0x10190] =	vst v15  }
0x44: {  	v13 =	vadd.s32 v13, v16;
	v12 =	vld.idx.msk [tilespmem:v12+s4+$0x0], $0xffff  }
0x45: {  	v13 =	vor.u32 v14, v13;
	_ =	sdelay $0x3  }
0x46: {  	[tilespmem:$0x101A0] =	vst v12  }
0x47: {  	v12 =	vld.idx.msk [tilespmem:v13+s4+$0x0], $0xffff;
	_ =	sdelay $0x2  }
0x48: {  	s28 =	simm.s32 $0x100;
	s7 =	simm.s32 $0x0  }
0x49: {  	s10 =	sand.u32 $0x1FC000, s4;
	s0 =	sand.u32 $0x1C0, s28;
	s7 =	sand.u32 $0x1C0, s7  }
0x4a: {  	s29 =	simm.s32 $0x0;
	s7 =	sor.u32 s7, s10;
	s26 =	rddreg [dreg:$0x4];
	v13 =	vmov s0;
	[tilespmem:$0x101B0] =	vst v12  }
0x4b: {  	v12 =	vshll.u32 v13, $0x7;
	v13 =	vmov s29;
	[tilespmem:s16], [sflag:$0x4] =	stream.indirect.gather [hbm4b:s2+s9], $0x80, s26, s9, $0xb8;
	[tilespmem:$0x1A400] =	vst v63  }
0x4c: {  	s10 =	sor.u32 s5, s7;
	v12 =	vor.u32 v0, v12;
	v14 =	vand.u32 $0x80, v13;
	_ =	swait.ge [sflag:s17], $0x2000  }
0x4d: {  	s12 =	sor.u32 $0x10, s0;
	s6 =	sshll.u32 s10, $0x4;
	v13 =	vand.u32 $0x7F, v13;
	v12 =	vadd.s32 v14, v12;
	[sflag:s17] =	ssyncset.done $0x0  }
0x4e: {  	s10 =	simm.s32 @!p0 $0xA;
	s6 =	sadd.s32 s3, s6;
	v12 =	vor.u32 v13, v12;
	[sflag:s17] =	ssyncadd.s32 $0xFFFFE000  }
0x4f: {  	[hbm4b:s6+s4] =	stream.linear.scatter [tilespmem:s8], [sflag:$0x6], $0x2000, $0x38;
	[tilespmem:$0x1A400] =	vst v63  }
0x50: {  	v15 =	vmov s12;
	_ =	swait.ge @!p0 [sflag:s10], $0x2000  }
0x51: {  	v15 =	vshll.u32 v15, $0x7;
	[sflag:s10] =	ssyncset.done @!p0 $0x0  }
0x52: {  	v15 =	vor.u32 v0, v15;
	[sflag:s10] =	ssyncadd.s32 @!p0 $0xFFFFE000  }
0x53: {  	v15 =	vadd.s32 v14, v15;
	v12 =	vld.idx.msk [tilespmem:v12+s4+$0x0], $0xffff  }
0x54: {  	v15 =	vor.u32 v13, v15  }
0x55: {  	s14 =	sor.u32 $0x20, s0  }
0x56: {  	v16 =	vmov s14  }
0x57: {  	v16 =	vshll.u32 v16, $0x7  }
0x58: {  	v16 =	vor.u32 v0, v16;
	[tilespmem:$0x10200] =	vst v12  }
0x59: {  	v12 =	vadd.s32 v14, v16;
	v15 =	vld.idx.msk [tilespmem:v15+s4+$0x0], $0xffff  }
0x5a: {  	v12 =	vor.u32 v13, v12  }
0x5b: {  	s24 =	sor.u32 $0x30, s0  }
0x5c: {  	v16 =	vmov s24  }
0x5d: {  	v16 =	vshll.u32 v16, $0x7  }
0x5e: {  	v16 =	vor.u32 v0, v16;
	[tilespmem:$0x10210] =	vst v15  }
0x5f: {  	v14 =	vadd.s32 v14, v16;
	v12 =	vld.idx.msk [tilespmem:v12+s4+$0x0], $0xffff  }
0x60: {  	v13 =	vor.u32 v13, v14;
	_ =	sdelay $0x3  }
0x61: {  	[tilespmem:$0x10220] =	vst v12  }
0x62: {  	v13 =	vld.idx.msk [tilespmem:v13+s4+$0x0], $0xffff;
	_ =	sdelay $0x1  }
0x63: {  	p0 =	por $0x0, $0x0  }
0x64: {  	s12 =	simm.s32 $0x800;
	s26 =	simm.s32 $0x40;
	s7 =	simm.s32 @!p0 $0x140  }
0x65: {  	s12 =	sand.u32 $0x3FC000, s12;
	s10 =	sand.u32 $0x1C0, s26;
	s7 =	sand.u32 @!p0 $0x1C0, s7;
	v12 =	vlaneseq.u32 @!p0  }
0x66: {  	s25 =	rddreg [dreg:$0x5];
	s14 =	simm.s32 @!p0 $0x0;
	s10 =	sor.u32 s10, s12;
	v14 =	vmov @!p0 s7;
	v12 =	vmul.u32 @!p0 $0x80, v12;
	[tilespmem:$0x10230] =	vst v13  }
0x67: {  	v13 =	vshll.u32 @!p0 v14, $0x7;
	v14 =	vmov @!p0 s14;
	[tilespmem:s18], [sflag:$0x5] =	stream.indirect.gather [hbm4b:s2+s9], $0x80, s25, s9, $0xb8;
	[tilespmem:$0x1A400] =	vst v63  }
0x68: {  	s28 =	sor.u32 s5, s10;
	v13 =	vor.u32 @!p0 v12, v13;
	v15 =	vand.u32 @!p0 $0x80, v14;
	_ =	swait.ge [sflag:s19], $0x2000  }
0x69: {  	s12 =	simm.s32 @!p0 $0x6;
	s6 =	sshll.u32 s28, $0x4;
	v14 =	vand.u32 @!p0 $0x7F, v14;
	v13 =	vadd.s32 @!p0 v15, v13;
	[sflag:s19] =	ssyncset.done $0x0  }
0x6a: {  	s10 =	sor.u32 @!p0 $0x10, s7;
	s6 =	sadd.s32 s3, s6;
	v13 =	vor.u32 @!p0 v14, v13;
	[sflag:s19] =	ssyncadd.s32 $0xFFFFE000  }
0x6b: {  	[hbm4b:s6+s4] =	stream.linear.scatter [tilespmem:s11], [sflag:$0x7], $0x2000, $0x38;
	[tilespmem:$0x1A400] =	vst v63  }
0x6c: {  	v16 =	vmov @!p0 s10;
	_ =	swait.ge @!p0 [sflag:s12], $0x2000  }
0x6d: {  	v16 =	vshll.u32 @!p0 v16, $0x7;
	[sflag:s12] =	ssyncset.done @!p0 $0x0  }
0x6e: {  	v16 =	vor.u32 @!p0 v12, v16;
	s14 =	simm.s32 @!p0 $0x0;
	[sflag:s12] =	ssyncadd.s32 @!p0 $0xFFFFE000  }
0x6f: {  	v16 =	vadd.s32 @!p0 v15, v16;
	v13 =	vld.idx.msk @!p0 [tilespmem:v13+s14+$0x0], $0xffff  }
0x70: {  	v16 =	vor.u32 @!p0 v14, v16  }
0x71: {  	s6 =	sor.u32 @!p0 $0x20, s7  }
0x72: {  	v17 =	vmov @!p0 s6  }
0x73: {  	v17 =	vshll.u32 @!p0 v17, $0x7  }
0x74: {  	v17 =	vor.u32 @!p0 v12, v17;
	[tilespmem:$0x10000] =	vst @!p0 v13  }
0x75: {  	v13 =	vadd.s32 @!p0 v15, v17;
	v16 =	vld.idx.msk @!p0 [tilespmem:v16+s14+$0x0], $0xffff  }
0x76: {  	v13 =	vor.u32 @!p0 v14, v13  }
0x77: {  	s6 =	sor.u32 @!p0 $0x30, s7  }
0x78: {  	v17 =	vmov @!p0 s6  }
0x79: {  	v17 =	vshll.u32 @!p0 v17, $0x7  }
0x7a: {  	v17 =	vor.u32 @!p0 v12, v17;
	[tilespmem:$0x10010] =	vst @!p0 v16  }
0x7b: {  	v15 =	vadd.s32 @!p0 v15, v17;
	v13 =	vld.idx.msk @!p0 [tilespmem:v13+s14+$0x0], $0xffff  }
0x7c: {  	v14 =	vor.u32 @!p0 v14, v15;
	_ =	sdelay $0x3  }
0x7d: {  	[tilespmem:$0x10020] =	vst @!p0 v13  }
0x7e: {  	v13 =	vld.idx.msk @!p0 [tilespmem:v14+s14+$0x0], $0xffff;
	_ =	sdelay $0x2  }
0x7f: {  	s30 =	simm.s32 $0x80  }
0x80: {  	s31 =	simm.s32 $0x1000;
	s10 =	simm.s32 @!p0 $0x10000;
	s6 =	simm.s32 @!p0 $0x180  }
0x81: {  	s7 =	simm.s32 @!p0 $0x40;
	s12 =	simm.s32 @!p0 $0x10400;
	s6 =	sand.u32 @!p0 $0x1C0, s6;
	[tilespmem:$0x10030] =	vst @!p0 v13  }
0x82: {  	[tilespmem:s12], [sflag:$0x1] =	stream.indirect.gather @!p0 [hbm4b:s2+s7], $0x80, s10, s7, $0xb8;
	[tilespmem:$0x1A400] =	vst v63  }
0x83: {  	s29 =	sand.u32 $0x1C0, s30;
	s30 =	sand.u32 $0x3FC000, s31;
	v13 =	vmov @!p0 s6;
	s10 =	simm.s32 @!p0 $0x0  }
0x84: {  	s8 =	sor.u32 s29, s30;
	v13 =	vshll.u32 @!p0 v13, $0x7;
	v14 =	vmov @!p0 s10  }
0x85: {  	v13 =	vor.u32 @!p0 v12, v13;
	_ =	swait.ge [sflag:s20], $0x2000;
	s10 =	sor.u32 s5, s8;
	v15 =	vand.u32 @!p0 $0x80, v14  }
0x86: {  	s30 =	simm.s32 @!p0 $0x7;
	v14 =	vand.u32 @!p0 $0x7F, v14;
	[sflag:s20] =	ssyncset.done $0x0;
	s10 =	sshll.u32 s10, $0x4;
	v13 =	vadd.s32 @!p0 v15, v13  }
0x87: {  	s12 =	sor.u32 @!p0 $0x10, s6;
	[sflag:s20] =	ssyncadd.s32 $0xFFFFE000;
	s10 =	sadd.s32 s3, s10;
	v13 =	vor.u32 @!p0 v14, v13  }
0x88: {  	[hbm4b:s10+s4] =	stream.linear.scatter [tilespmem:s23], [sflag:$0x8], $0x2000, $0x38;
	[tilespmem:$0x1A400] =	vst v63  }
0x89: {  	v16 =	vmov @!p0 s12;
	_ =	swait.ge @!p0 [sflag:s30], $0x2000  }
0x8a: {  	v16 =	vshll.u32 @!p0 v16, $0x7;
	[sflag:s30] =	ssyncset.done @!p0 $0x0  }
0x8b: {  	v16 =	vor.u32 @!p0 v12, v16;
	[sflag:s30] =	ssyncadd.s32 @!p0 $0xFFFFE000  }
0x8c: {  	v16 =	vadd.s32 @!p0 v15, v16;
	v13 =	vld.idx.msk @!p0 [tilespmem:v13+s14+$0x0], $0xffff  }
0x8d: {  	v16 =	vor.u32 @!p0 v14, v16  }
0x8e: {  	s10 =	sor.u32 @!p0 $0x20, s6  }
0x8f: {  	v17 =	vmov @!p0 s10  }
0x90: {  	v17 =	vshll.u32 @!p0 v17, $0x7  }
0x91: {  	v17 =	vor.u32 @!p0 v12, v17;
	[tilespmem:$0x10080] =	vst @!p0 v13  }
0x92: {  	v13 =	vadd.s32 @!p0 v15, v17;
	v16 =	vld.idx.msk @!p0 [tilespmem:v16+s14+$0x0], $0xffff  }
0x93: {  	v13 =	vor.u32 @!p0 v14, v13  }
0x94: {  	s6 =	sor.u32 @!p0 $0x30, s6  }
0x95: {  	v17 =	vmov @!p0 s6  }
0x96: {  	v17 =	vshll.u32 @!p0 v17, $0x7  }
0x97: {  	v17 =	vor.u32 @!p0 v12, v17;
	[tilespmem:$0x10090] =	vst @!p0 v16  }
0x98: {  	v15 =	vadd.s32 @!p0 v15, v17;
	v13 =	vld.idx.msk @!p0 [tilespmem:v13+s14+$0x0], $0xffff  }
0x99: {  	v14 =	vor.u32 @!p0 v14, v15;
	_ =	sdelay $0x3  }
0x9a: {  	[tilespmem:$0x100A0] =	vst @!p0 v13  }
0x9b: {  	v13 =	vld.idx.msk @!p0 [tilespmem:v14+s14+$0x0], $0xffff;
	_ =	sdelay $0x1  }
0x9c: {  	s11 =	simm.s32 $0x1800  }
0x9d: {  	s10 =	simm.s32 $0x1C0;
	s6 =	sand.u32 $0x3FC000, s11  }
0x9e: {  	s12 =	simm.s32 @!p0 $0x10080;
	s1 =	sor.u32 s1, s6;
	s6 =	sand.u32 @!p0 $0x1C0, s10  }
0x9f: {  	s30 =	simm.s32 @!p0 $0x12400;
	s10 =	simm.s32 @!p0 $0x0;
	s1 =	sor.u32 s5, s1;
	v14 =	vmov @!p0 s6;
	[tilespmem:$0x100B0] =	vst @!p0 v13  }
0xa0: {  	v14 =	vshll.u32 @!p0 v14, $0x7;
	v13 =	vmov @!p0 s10;
	[tilespmem:s30], [sflag:$0x2] =	stream.indirect.gather @!p0 [hbm4b:s2+s7], $0x80, s12, s7, $0xb8;
	[tilespmem:$0x1A400] =	vst v63  }
0xa1: {  	s1 =	sshll.u32 s1, $0x4;
	v14 =	vor.u32 @!p0 v12, v14;
	v15 =	vand.u32 @!p0 $0x80, v13;
	_ =	swait.ge [sflag:s21], $0x2000  }
0xa2: {  	s1 =	sadd.s32 s3, s1;
	v13 =	vand.u32 @!p0 $0x7F, v13;
	v14 =	vadd.s32 @!p0 v15, v14;
	[sflag:s21] =	ssyncset.done $0x0  }
0xa3: {  	s10 =	sor.u32 @!p0 $0x10, s6;
	s12 =	simm.s32 @!p0 $0x8;
	v14 =	vor.u32 @!p0 v13, v14;
	[sflag:s21] =	ssyncadd.s32 $0xFFFFE000  }
0xa4: {  	[hbm4b:s1+s4] =	stream.linear.scatter [tilespmem:s16], [sflag:$0x9], $0x2000, $0x38;
	[tilespmem:$0x1A400] =	vst v63  }
0xa5: {  	v16 =	vmov @!p0 s10;
	_ =	swait.ge @!p0 [sflag:s12], $0x2000  }
0xa6: {  	v16 =	vshll.u32 @!p0 v16, $0x7;
	[sflag:s12] =	ssyncset.done @!p0 $0x0  }
0xa7: {  	v16 =	vor.u32 @!p0 v12, v16;
	[sflag:s12] =	ssyncadd.s32 @!p0 $0xFFFFE000  }
0xa8: {  	v16 =	vadd.s32 @!p0 v15, v16;
	v14 =	vld.idx.msk @!p0 [tilespmem:v14+s14+$0x0], $0xffff  }
0xa9: {  	v16 =	vor.u32 @!p0 v13, v16  }
0xaa: {  	s1 =	sor.u32 @!p0 $0x20, s6  }
0xab: {  	v17 =	vmov @!p0 s1  }
0xac: {  	s1 =	sor.u32 @!p0 $0x30, s6;
	v17 =	vshll.u32 @!p0 v17, $0x7  }
0xad: {  	v18 =	vmov @!p0 s1;
	v17 =	vor.u32 @!p0 v12, v17;
	[tilespmem:$0x10100] =	vst @!p0 v14  }
0xae: {  	s23 =	simm.s32 $0x200;
	v17 =	vadd.s32 @!p0 v15, v17;
	v14 =	vshll.u32 @!p0 v18, $0x7;
	v16 =	vld.idx.msk @!p0 [tilespmem:v16+s14+$0x0], $0xffff  }
0xaf: {  	s31 =	simm.s32 $0x300;
	s24 =	sand.u32 $0x1C0, s23;
	v12 =	vor.u32 @!p0 v12, v14;
	v14 =	vor.u32 @!p0 v13, v17  }
0xb0: {  	s26 =	simm.s32 $0x1;
	s25 =	simm.s32 $0x4000;
	s28 =	sor.u32 $0x10, s24;
	v12 =	vadd.s32 @!p0 v15, v12  }
0xb1: {  	s30 =	sor.u32 $0x20, s24;
	s6 =	sand.u32 $0x3FC000, s25;
	s12 =	simm.s32 $0x2000;
	v12 =	vor.u32 @!p0 v13, v12;
	v13 =	vmov s24  }
0xb2: {  	v19 =	vmov s28;
	s10 =	simm.s32 $0x440;
	s29 =	sor.u32 s24, s6;
	s1 =	sand.u32 $0x3FC000, s12;
	v15 =	vmov s26;
	v13 =	vshll.u32 v13, $0x7  }
0xb3: {  	s6 =	sor.u32 $0x30, s24;
	s0 =	sor.u32 s0, s1;
	s1 =	sor.u32 s5, s29;
	v17 =	vmov s30;
	v18 =	vor.u32 v0, v13;
	v13 =	vand.u32 $0x7F, v15;
	[tilespmem:$0x10110] =	vst @!p0 v16  }
0xb4: {  	s12 =	sor.u32 s5, s0;
	s0 =	simm.s32 $0xC;
	s30 =	simm.s32 $0x2800;
	v16 =	vshll.u32 v17, $0x7;
	v17 =	vld.idx.msk @!p0 [tilespmem:v14+s14+$0x0], $0xffff;
	v14 =	vand.u32 $0x80, v15;
	v15 =	vshll.u32 v19, $0x7  }
.LBB2_2:
0xb5: {  	_ =	sdelay $0x3  }
0xb6: {  	[tilespmem:$0x10120] =	vst @!p0 v17  }
0xb7: {  	v12 =	vld.idx.msk @!p0 [tilespmem:v12+s14+$0x0], $0xffff;
	_ =	sdelay $0x4  }
0xb8: {  	s8 =	sshll.u32 s12, $0x4;
	s12 =	simm.s32 @!p0 $0x10100;
	s14 =	simm.s32 @!p0 $0x14400;
	[tilespmem:$0x10130] =	vst @!p0 v12  }
0xb9: {  	[tilespmem:s14], [sflag:$0x3] =	stream.indirect.gather @!p0 [hbm4b:s2+s7], $0x80, s12, s7, $0xb8;
	[tilespmem:$0x1A400] =	vst v63  }
0xba: {  	_ =	swait.ge [sflag:s22], $0x2000  }
0xbb: {  	v18 =	vadd.s32 v14, v18;
	p2 =	seq.s32 s31, $0x1C0;
	[sflag:s22] =	ssyncset.done $0x0  }
0xbc: {  	v18 =	vor.u32 v13, v18;
	s8 =	sadd.s32 s3, s8;
	s7 =	simm.s32 @!p2 $0x9;
	[sflag:s22] =	ssyncadd.s32 $0xFFFFE000  }
0xbd: {  	[hbm4b:s8+s4] =	stream.linear.scatter [tilespmem:s18], [sflag:$0xA], $0x2000, $0x38;
	[tilespmem:$0x1A400] =	vst v63  }
0xbe: {  	v19 =	vmov s6;
	_ =	swait.ge @!p2 [sflag:s7], $0x2000  }
0xbf: {  	v19 =	vshll.u32 v19, $0x7;
	[sflag:s7] =	ssyncset.done @!p2 $0x0  }
0xc0: {  	v16 =	vor.u32 v0, v16;
	v15 =	vor.u32 v0, v15;
	v19 =	vor.u32 v0, v19;
	[sflag:s7] =	ssyncadd.s32 @!p2 $0xFFFFE000  }
0xc1: {  	v16 =	vadd.s32 v14, v16;
	v19 =	vadd.s32 v14, v19;
	v14 =	vadd.s32 v14, v15;
	v12 =	vld.idx.msk [tilespmem:v18+s4+$0x0], $0xffff  }
0xc2: {  	v16 =	vor.u32 v13, v16;
	v17 =	vor.u32 v13, v19;
	v13 =	vor.u32 v13, v14;
	_ =	sdelay $0x3  }
0xc3: {  	[tilespmem:$0x10180] =	vst v12  }
0xc4: {  	v12 =	vld.idx.msk [tilespmem:v13+s4+$0x0], $0xffff;
	_ =	sdelay $0x4  }
0xc5: {  	[tilespmem:$0x10190] =	vst v12  }
0xc6: {  	v12 =	vld.idx.msk [tilespmem:v16+s4+$0x0], $0xffff;
	_ =	sdelay $0x4  }
0xc7: {  	[tilespmem:$0x101A0] =	vst v12  }
0xc8: {  	v17 =	vld.idx.msk [tilespmem:v17+s4+$0x0], $0xffff  }
0xc9: {  	s28 =	sadd.s32 $0x2000, s30;
	s23 =	sadd.s32 $0xFFFFFE40, s31  }
0xca: {  	s11 =	sadd.s32 $0xFFFFFF40, s31;
	s24 =	sadd.s32 $0xFFFFFFFD, s0;
	s23 =	sand.u32 $0x1C0, s23  }
0xcb: {  	s24 =	sshrl.u32 s24, $0x3;
	s14 =	sand.u32 $0x1FC000, s30;
	s12 =	sand.u32 $0x1C0, s11  }
0xcc: {  	s25 =	sor.u32 $0x10, s12;
	s26 =	sor.u32 $0x20, s12;
	s7 =	sor.u32 s23, s14  }
0xcd: {  	v14 =	vmov s25;
	s25 =	sor.u32 $0x30, s12;
	s29 =	rddreg [dreg:$0x4];
	s7 =	sor.u32 s5, s7;
	v13 =	vmov s12;
	[tilespmem:$0x101B0] =	vst v17  }
0xce: {  	v13 =	vshll.u32 v13, $0x7;
	v16 =	vmov s24;
	[tilespmem:s16], [sflag:$0x4] =	stream.indirect.gather [hbm4b:s2+s9], $0x80, s29, s9, $0xb8;
	[tilespmem:$0x1A400] =	vst v63  }
0xcf: {  	s8 =	sand.u32 $0x3FC000, s28;
	s7 =	sshll.u32 s7, $0x4;
	v13 =	vor.u32 v0, v13;
	v12 =	vand.u32 $0x80, v16;
	_ =	swait.ge [sflag:s17], $0x2000  }
0xd0: {  	s8 =	sor.u32 s12, s8;
	s7 =	sadd.s32 s3, s7;
	v16 =	vand.u32 $0x7F, v16;
	v13 =	vadd.s32 v12, v13;
	[sflag:s17] =	ssyncset.done $0x0  }
0xd1: {  	s12 =	sor.u32 s5, s8;
	s8 =	simm.s32 @!p2 $0xA;
	v13 =	vor.u32 v16, v13;
	[sflag:s17] =	ssyncadd.s32 $0xFFFFE000  }
0xd2: {  	[hbm4b:s7+s4] =	stream.linear.scatter [tilespmem:s13], [sflag:$0x6], $0x2000, $0x38;
	[tilespmem:$0x1A400] =	vst v63  }
0xd3: {  	_ =	swait.ge @!p2 [sflag:s8], $0x2000  }
0xd4: {  	v14 =	vshll.u32 v14, $0x7;
	[sflag:s8] =	ssyncset.done @!p2 $0x0  }
0xd5: {  	v14 =	vor.u32 v0, v14;
	[sflag:s8] =	ssyncadd.s32 @!p2 $0xFFFFE000  }
0xd6: {  	v14 =	vadd.s32 v12, v14;
	v13 =	vld.idx.msk [tilespmem:v13+s4+$0x0], $0xffff  }
0xd7: {  	v14 =	vor.u32 v16, v14;
	_ =	sdelay $0x1  }
0xd8: {  	v15 =	vmov s26  }
0xd9: {  	v15 =	vshll.u32 v15, $0x7  }
0xda: {  	v15 =	vor.u32 v0, v15;
	[tilespmem:$0x10200] =	vst v13  }
0xdb: {  	v15 =	vadd.s32 v12, v15;
	v13 =	vld.idx.msk [tilespmem:v14+s4+$0x0], $0xffff  }
0xdc: {  	v15 =	vor.u32 v16, v15;
	_ =	sdelay $0x1  }
0xdd: {  	v18 =	vmov s25  }
0xde: {  	v18 =	vshll.u32 v18, $0x7  }
0xdf: {  	v18 =	vor.u32 v0, v18;
	[tilespmem:$0x10210] =	vst v13  }
0xe0: {  	v12 =	vadd.s32 v12, v18;
	v13 =	vld.idx.msk [tilespmem:v15+s4+$0x0], $0xffff  }
0xe1: {  	p0 =	seq.s32 s31, $0x6480;
	v12 =	vor.u32 v16, v12  }
0xe2: {  	s26 =	sand.u32 @!p0 $0x1C0, s31  }
0xe3: {  	s11 =	sor.u32 @!p0 $0x10, s26;
	v24 =	vmov @!p0 s26;
	s23 =	sadd.s32 @!p0 $0xFFFFFFFE, s0  }
0xe4: {  	v19 =	vmov @!p0 s11;
	v24 =	vshll.u32 @!p0 v24, $0x7;
	s23 =	sshrl.u32 @!p0 s23, $0x3;
	s29 =	sor.u32 @!p0 $0x30, s26;
	s8 =	sadd.s32 @!p0 $0xFFFFFF80, s31  }
0xe5: {  	v19 =	vshll.u32 @!p0 v19, $0x7;
	s14 =	sadd.s32 @!p0 $0xFFFFFFFF, s0;
	v16 =	vmov @!p0 s23;
	v18 =	vmov @!p0 s29;
	s8 =	sand.u32 @!p0 $0x1C0, s8;
	[tilespmem:$0x10220] =	vst v13  }
0xe6: {  	s24 =	sadd.s32 @!p0 $0xFFFFFFC0, s31;
	v22 =	vand.u32 @!p0 $0x80, v16;
	v16 =	vand.u32 @!p0 $0x7F, v16;
	v18 =	vshll.u32 @!p0 v18, $0x7;
	s25 =	sor.u32 @!p0 $0x30, s8;
	s23 =	sor.u32 @!p0 $0x20, s8;
	v12 =	vld.idx.msk [tilespmem:v12+s4+$0x0], $0xffff  }
0xe7: {  	s28 =	sshrl.u32 @!p0 s0, $0x3;
	v17 =	vmov @!p0 s25;
	s25 =	sshrl.u32 @!p0 s14, $0x3;
	s14 =	sand.u32 @!p0 $0x1C0, s24;
	v23 =	vmov @!p0 s23;
	v14 =	vlaneseq.u32 @!p0  }
0xe8: {  	s24 =	sor.u32 @!p0 $0x20, s26;
	s26 =	sadd.s32 $0xFFFFFE80, s31;
	v21 =	vmov @!p0 s25;
	v15 =	vmul.u32 @!p0 $0x80, v14;
	v14 =	vmov @!p0 s8;
	s8 =	sor.u32 @!p0 $0x10, s8  }
0xe9: {  	s11 =	sor.u32 @!p0 $0x20, s14;
	v20 =	vmov @!p0 s8;
	s8 =	sor.u32 @!p0 $0x10, s14;
	v13 =	vshll.u32 @!p0 v17, $0x7;
	v17 =	vmov @!p0 s28;
	s28 =	sadd.s32 $0x800, s30  }
0xea: {  	s23 =	sor.u32 @!p0 $0x30, s14;
	v25 =	vmov @!p0 s24;
	v23 =	vshll.u32 @!p0 v23, $0x7;
	v26 =	vmov @!p0 s8;
	s8 =	sand.u32 $0x1C0, s26;
	s29 =	sand.u32 $0x3FC000, s28  }
0xeb: {  	s7 =	rddreg [dreg:$0x5];
	v30 =	vmov @!p0 s14;
	v27 =	vmov @!p0 s23;
	v29 =	vmov @!p0 s11;
	s8 =	sor.u32 s8, s29;
	[tilespmem:$0x10230] =	vst v12  }
0xec: {  	v25 =	vshll.u32 @!p0 v25, $0x7;
	v27 =	vshll.u32 @!p0 v27, $0x7;
	v14 =	vshll.u32 @!p0 v14, $0x7;
	[tilespmem:s18], [sflag:$0x5] =	stream.indirect.gather [hbm4b:s2+s9], $0x80, s7, s9, $0xb8;
	[tilespmem:$0x1A400] =	vst v63  }
0xed: {  	v29 =	vshll.u32 @!p0 v29, $0x7;
	v14 =	vor.u32 @!p0 v15, v14;
	v20 =	vshll.u32 @!p0 v20, $0x7;
	s23 =	sor.u32 s5, s8;
	_ =	swait.ge [sflag:s19], $0x2000  }
0xee: {  	s24 =	simm.s32 $0x12400;
	v24 =	vor.u32 @!p0 v15, v24;
	v23 =	vor.u32 @!p0 v15, v23;
	v14 =	vadd.s32 @!p0 v22, v14;
	s7 =	sshll.u32 s23, $0x4;
	[sflag:s19] =	ssyncset.done $0x0  }
0xef: {  	v19 =	vor.u32 @!p0 v15, v19;
	v20 =	vor.u32 @!p0 v15, v20;
	v14 =	vor.u32 @!p0 v16, v14;
	s8 =	simm.s32 @!p0 $0x6;
	s7 =	sadd.s32 s3, s7;
	[sflag:s19] =	ssyncadd.s32 $0xFFFFE000  }
0xf0: {  	v27 =	vor.u32 @!p0 v15, v27;
	v25 =	vor.u32 @!p0 v15, v25;
	v20 =	vadd.s32 @!p0 v22, v20;
	[hbm4b:s7+s4] =	stream.linear.scatter [tilespmem:s24], [sflag:$0x7], $0x2000, $0x38;
	[tilespmem:$0x1A400] =	vst v63  }
0xf1: {  	v18 =	vor.u32 @!p0 v15, v18;
	v26 =	vshll.u32 @!p0 v26, $0x7;
	v20 =	vor.u32 @!p0 v16, v20;
	_ =	swait.ge @!p0 [sflag:s8], $0x2000  }
0xf2: {  	v28 =	vand.u32 @!p0 $0x80, v17;
	v17 =	vand.u32 @!p0 $0x7F, v17;
	v12 =	vor.u32 @!p0 v15, v13;
	[sflag:s8] =	ssyncset.done @!p0 $0x0  }
0xf3: {  	s14 =	simm.s32 @!p0 $0x0;
	v24 =	vadd.s32 @!p0 v28, v24;
	v12 =	vadd.s32 @!p0 v22, v12;
	v22 =	vadd.s32 @!p0 v22, v23;
	[sflag:s8] =	ssyncadd.s32 @!p0 $0xFFFFE000  }
0xf4: {  	v22 =	vor.u32 @!p0 v16, v22;
	v16 =	vor.u32 @!p0 v16, v12;
	v12 =	vor.u32 @!p0 v15, v29;
	v29 =	vld.idx.msk @!p0 [tilespmem:v14+s14+$0x0], $0xffff  }
0xf5: {  	v26 =	vor.u32 @!p0 v15, v26;
	v13 =	vor.u32 @!p0 v17, v24;
	v24 =	vand.u32 @!p0 $0x80, v21  }
0xf6: {  	v21 =	vand.u32 @!p0 $0x7F, v21;
	v23 =	vshll.u32 @!p0 v30, $0x7;
	v12 =	vadd.s32 @!p0 v24, v12  }
0xf7: {  	v30 =	vor.u32 @!p0 v21, v12;
	v12 =	vadd.s32 @!p0 v24, v27;
	v14 =	vadd.s32 @!p0 v28, v25  }
0xf8: {  	v25 =	vor.u32 @!p0 v21, v12;
	v12 =	vadd.s32 @!p0 v28, v19;
	v19 =	vor.u32 @!p0 v15, v23  }
0xf9: {  	v15 =	vor.u32 @!p0 v17, v12;
	v12 =	vadd.s32 @!p0 v28, v18;
	v18 =	vadd.s32 @!p0 v24, v19;
	[tilespmem:$0x10000] =	vst @!p0 v29  }
0xfa: {  	v14 =	vor.u32 @!p0 v17, v14;
	v12 =	vor.u32 @!p0 v17, v12;
	v17 =	vor.u32 @!p0 v21, v18;
	v18 =	vld.idx.msk @!p0 [tilespmem:v20+s14+$0x0], $0xffff;
	_ =	sdelay $0x4  }
0xfb: {  	[tilespmem:$0x10010] =	vst @!p0 v18  }
0xfc: {  	v18 =	vld.idx.msk @!p0 [tilespmem:v22+s14+$0x0], $0xffff;
	_ =	sdelay $0x4  }
0xfd: {  	[tilespmem:$0x10020] =	vst @!p0 v18  }
0xfe: {  	v16 =	vld.idx.msk @!p0 [tilespmem:v16+s14+$0x0], $0xffff;
	_ =	sdelay $0x1  }
0xff: {  	s6 =	smov.u32 s10  }
0x100: {  	s25 =	sadd.s32 $0xFFFFFEC0, s31;
	s31 =	smov.u32 s6;
	s26 =	sadd.s32 $0x1000, s30  }
0x101: {  	s11 =	simm.s32 @!p0 $0x10400;
	s28 =	sand.u32 $0x1C0, s25;
	s29 =	sand.u32 $0x3FC000, s26  }
0x102: {  	s6 =	sor.u32 s28, s29;
	s7 =	simm.s32 @!p0 $0x40;
	s8 =	simm.s32 @!p0 $0x10000;
	[tilespmem:$0x10030] =	vst @!p0 v16  }
0x103: {  	[tilespmem:s11], [sflag:$0x1] =	stream.indirect.gather @!p0 [hbm4b:s2+s7], $0x80, s8, s7, $0xb8;
	[tilespmem:$0x1A400] =	vst v63  }
0x104: {  	s6 =	sor.u32 s5, s6;
	_ =	swait.ge [sflag:s20], $0x2000  }
0x105: {  	s6 =	sshll.u32 s6, $0x4;
	[sflag:s20] =	ssyncset.done $0x0  }
0x106: {  	s6 =	sadd.s32 s3, s6;
	s8 =	simm.s32 @!p0 $0x7;
	[sflag:s20] =	ssyncadd.s32 $0xFFFFE000  }
0x107: {  	[hbm4b:s6+s4] =	stream.linear.scatter [tilespmem:s15], [sflag:$0x8], $0x2000, $0x38;
	[tilespmem:$0x1A400] =	vst v63  }
0x108: {  	_ =	swait.ge @!p0 [sflag:s8], $0x2000  }
0x109: {  	[sflag:s8] =	ssyncset.done @!p0 $0x0  }
0x10a: {  	[sflag:s8] =	ssyncadd.s32 @!p0 $0xFFFFE000  }
0x10b: {  	v26 =	vadd.s32 @!p0 v24, v26;
	v16 =	vld.idx.msk @!p0 [tilespmem:v17+s14+$0x0], $0xffff  }
0x10c: {  	v26 =	vor.u32 @!p0 v21, v26;
	_ =	sdelay $0x3  }
0x10d: {  	[tilespmem:$0x10080] =	vst @!p0 v16  }
0x10e: {  	v16 =	vld.idx.msk @!p0 [tilespmem:v26+s14+$0x0], $0xffff;
	_ =	sdelay $0x4  }
0x10f: {  	[tilespmem:$0x10090] =	vst @!p0 v16  }
0x110: {  	v16 =	vld.idx.msk @!p0 [tilespmem:v30+s14+$0x0], $0xffff;
	_ =	sdelay $0x4  }
0x111: {  	[tilespmem:$0x100A0] =	vst @!p0 v16  }
0x112: {  	v16 =	vld.idx.msk @!p0 [tilespmem:v25+s14+$0x0], $0xffff;
	_ =	sdelay $0x4  }
0x113: {  	s6 =	simm.s32 @!p0 $0x10080;
	s8 =	simm.s32 @!p0 $0x12400;
	[tilespmem:$0x100B0] =	vst @!p0 v16  }
0x114: {  	[tilespmem:s8], [sflag:$0x2] =	stream.indirect.gather @!p0 [hbm4b:s2+s7], $0x80, s6, s7, $0xb8;
	[tilespmem:$0x1A400] =	vst v63  }
0x115: {  	_ =	swait.ge [sflag:s21], $0x2000  }
0x116: {  	s1 =	sshll.u32 s1, $0x4;
	[sflag:s21] =	ssyncset.done $0x0  }
0x117: {  	s1 =	sadd.s32 s3, s1;
	s6 =	simm.s32 @!p0 $0x8;
	[sflag:s21] =	ssyncadd.s32 $0xFFFFE000  }
0x118: {  	[hbm4b:s1+s4] =	stream.linear.scatter [tilespmem:s16], [sflag:$0x9], $0x2000, $0x38;
	[tilespmem:$0x1A400] =	vst v63  }
0x119: {  	_ =	swait.ge @!p0 [sflag:s6], $0x2000  }
0x11a: {  	[sflag:s6] =	ssyncset.done @!p0 $0x0  }
0x11b: {  	[sflag:s6] =	ssyncadd.s32 @!p0 $0xFFFFE000  }
0x11c: {  	v13 =	vld.idx.msk @!p0 [tilespmem:v13+s14+$0x0], $0xffff;
	_ =	sdelay $0x4  }
0x11d: {  	[tilespmem:$0x10100] =	vst @!p0 v13  }
0x11e: {  	s10 =	sadd.s32 $0x140, s10;
	v13 =	vld.idx.msk @!p0 [tilespmem:v15+s14+$0x0], $0xffff  }
0x11f: {  	p1 =	sne.s32 s10, $0x65C0  }
0x120: {  	s0 =	sadd.s32 $0x5, s0;
	s30 =	sadd.s32 $0x2800, s30;
	s24 =	sadd.s32 $0xFFFFFF00, s31  }
.Ltmp0:
0x121: {  	s25 =	sadd.s32 $0xFFFFFFFC, s0;
	s1 =	sand.u32 $0x1C0, s24;
	(pc) =	sbr.rel @p1 .LBB2_2-.Ltmp0, $4  }
0x122: {  	s26 =	sadd.s32 $0x1800, s30;
	s28 =	sor.u32 $0x20, s1;
	s29 =	sor.u32 $0x10, s1;
	v15 =	vmov s1  }
0x123: {  	s8 =	sand.u32 $0x3FC000, s26;
	v16 =	vmov s28;
	v19 =	vmov s29;
	s6 =	sshrl.u32 s25, $0x3;
	[tilespmem:$0x10110] =	vst @!p0 v13;
	v13 =	vshll.u32 v15, $0x7  }
0x124: {  	s8 =	sor.u32 s1, s8;
	v16 =	vshll.u32 v16, $0x7;
	v15 =	vmov s6;
	v18 =	vor.u32 v0, v13  }
0x125: {  	s6 =	sor.u32 $0x30, s1;
	s1 =	sor.u32 s5, s8;
	v17 =	vld.idx.msk @!p0 [tilespmem:v14+s14+$0x0], $0xffff;
	v14 =	vand.u32 $0x80, v15;
	v13 =	vand.u32 $0x7F, v15;
	v15 =	vshll.u32 v19, $0x7  }
0x126: {  	_ =	sdelay $0x3  }
0x127: {  	[tilespmem:$0x10120] =	vst @!p0 v17  }
0x128: {  	v12 =	vld.idx.msk @!p0 [tilespmem:v12+s14+$0x0], $0xffff;
	_ =	sdelay $0x4  }
0x129: {  	s8 =	simm.s32 @!p0 $0x10100;
	s10 =	simm.s32 @!p0 $0x14400;
	[tilespmem:$0x10130] =	vst @!p0 v12  }
0x12a: {  	[tilespmem:s10], [sflag:$0x3] =	stream.indirect.gather @!p0 [hbm4b:s2+s7], $0x80, s8, s7, $0xb8;
	[tilespmem:$0x1A400] =	vst v63  }
0x12b: {  	_ =	swait.ge [sflag:s22], $0x2000  }
0x12c: {  	v51 =	vadd.s32 v14, v18;
	s14 =	sshll.u32 s12, $0x4;
	p0 =	seq.s32 s31, $0x1C0;
	[sflag:s22] =	ssyncset.done $0x0  }
0x12d: {  	v12 =	vor.u32 v13, v51;
	s7 =	sadd.s32 s3, s14;
	s8 =	simm.s32 @!p0 $0x9;
	[sflag:s22] =	ssyncadd.s32 $0xFFFFE000  }
0x12e: {  	[hbm4b:s7+s4] =	stream.linear.scatter [tilespmem:s18], [sflag:$0xA], $0x2000, $0x38;
	[tilespmem:$0x1A400] =	vst v63  }
0x12f: {  	_ =	swait.ge @!p0 [sflag:s8], $0x2000  }
0x130: {  	[sflag:s8] =	ssyncset.done @!p0 $0x0  }
0x131: {  	v15 =	vor.u32 v0, v15;
	[sflag:s8] =	ssyncadd.s32 @!p0 $0xFFFFE000  }
0x132: {  	v15 =	vadd.s32 v14, v15;
	v12 =	vld.idx.msk [tilespmem:v12+s4+$0x0], $0xffff  }
0x133: {  	v15 =	vor.u32 v13, v15;
	_ =	sdelay $0x3  }
0x134: {  	v16 =	vor.u32 v0, v16;
	[tilespmem:$0x10180] =	vst v12  }
0x135: {  	v52 =	vadd.s32 v14, v16;
	v15 =	vld.idx.msk [tilespmem:v15+s4+$0x0], $0xffff  }
0x136: {  	v12 =	vor.u32 v13, v52;
	_ =	sdelay $0x1  }
0x137: {  	v53 =	vmov s6  }
0x138: {  	v16 =	vshll.u32 v53, $0x7  }
0x139: {  	v16 =	vor.u32 v0, v16;
	[tilespmem:$0x10190] =	vst v15  }
0x13a: {  	v54 =	vadd.s32 v14, v16;
	v12 =	vld.idx.msk [tilespmem:v12+s4+$0x0], $0xffff  }
0x13b: {  	v55 =	vor.u32 v13, v54;
	_ =	sdelay $0x3  }
0x13c: {  	[tilespmem:$0x101A0] =	vst v12  }
0x13d: {  	v12 =	vld.idx.msk [tilespmem:v55+s4+$0x0], $0xffff;
	_ =	sdelay $0x2  }
0x13e: {  	s23 =	sand.u32 $0x1FC000, s30;
	s25 =	sadd.s32 $0xFFFFFF40, s31;
	s26 =	sadd.s32 $0xFFFFFE40, s31  }
0x13f: {  	s11 =	sadd.s32 $0xFFFFFFFD, s0;
	s6 =	sand.u32 $0x1C0, s25;
	s10 =	sand.u32 $0x1C0, s26  }
0x140: {  	s28 =	sshrl.u32 s11, $0x3;
	v56 =	vmov s6;
	s7 =	sor.u32 s10, s23;
	s24 =	rddreg [dreg:$0x4];
	[tilespmem:$0x101B0] =	vst v12  }
0x141: {  	v58 =	vmov s28;
	v57 =	vshll.u32 v56, $0x7;
	[tilespmem:s16], [sflag:$0x4] =	stream.indirect.gather [hbm4b:s2+s9], $0x80, s24, s9, $0xb8;
	[tilespmem:$0x1A400] =	vst v63  }
0x142: {  	v59 =	vand.u32 $0x80, v58;
	s7 =	sor.u32 s5, s7;
	v12 =	vor.u32 v0, v57;
	_ =	swait.ge [sflag:s17], $0x2000  }
0x143: {  	s29 =	sor.u32 $0x10, s6;
	s7 =	sshll.u32 s7, $0x4;
	v13 =	vand.u32 $0x7F, v58;
	v12 =	vadd.s32 v59, v12;
	[sflag:s17] =	ssyncset.done $0x0  }
0x144: {  	s10 =	simm.s32 @!p0 $0xA;
	s7 =	sadd.s32 s3, s7;
	v12 =	vor.u32 v13, v12;
	[sflag:s17] =	ssyncadd.s32 $0xFFFFE000  }
0x145: {  	[hbm4b:s7+s4] =	stream.linear.scatter [tilespmem:s13], [sflag:$0x6], $0x2000, $0x38;
	[tilespmem:$0x1A400] =	vst v63  }
0x146: {  	v60 =	vmov s29;
	_ =	swait.ge @!p0 [sflag:s10], $0x2000  }
0x147: {  	v15 =	vshll.u32 v60, $0x7;
	[sflag:s10] =	ssyncset.done @!p0 $0x0  }
0x148: {  	v15 =	vor.u32 v0, v15;
	[sflag:s10] =	ssyncadd.s32 @!p0 $0xFFFFE000  }
0x149: {  	v15 =	vadd.s32 v59, v15;
	v12 =	vld.idx.msk [tilespmem:v12+s4+$0x0], $0xffff  }
0x14a: {  	v15 =	vor.u32 v13, v15  }
0x14b: {  	s11 =	sor.u32 $0x20, s6  }
0x14c: {  	v61 =	vmov s11  }
0x14d: {  	v16 =	vshll.u32 v61, $0x7  }
0x14e: {  	v16 =	vor.u32 v0, v16;
	[tilespmem:$0x10200] =	vst v12  }
0x14f: {  	v62 =	vadd.s32 v59, v16;
	v15 =	vld.idx.msk [tilespmem:v15+s4+$0x0], $0xffff  }
0x150: {  	v12 =	vor.u32 v13, v62  }
0x151: {  	s12 =	sor.u32 $0x30, s6  }
0x152: {  	v63 =	vmov s12  }
0x153: {  	v16 =	vshll.u32 v63, $0x7  }
0x154: {  	v16 =	vor.u32 v0, v16;
	[tilespmem:$0x10210] =	vst v15  }
0x155: {  	v14 =	vadd.s32 v59, v16;
	v12 =	vld.idx.msk [tilespmem:v12+s4+$0x0], $0xffff  }
0x156: {  	v13 =	vor.u32 v13, v14;
	_ =	sdelay $0x3  }
0x157: {  	[tilespmem:$0x10220] =	vst v12  }
0x158: {  	v13 =	vld.idx.msk [tilespmem:v13+s4+$0x0], $0xffff;
	_ =	sdelay $0x1  }
0x159: {  	s23 =	sadd.s32 $0xFFFFFE80, s31;
	s24 =	sadd.s32 $0x800, s30;
	p0 =	seq.s32 s31, $0x6480  }
0x15a: {  	s11 =	sand.u32 $0x1C0, s23;
	s12 =	sand.u32 $0x3FC000, s24;
	s8 =	sadd.s32 @!p0 $0xFFFFFF80, s31  }
0x15b: {  	s11 =	sor.u32 s11, s12;
	s10 =	sadd.s32 @!p0 $0xFFFFFFFE, s0;
	s8 =	sand.u32 @!p0 $0x1C0, s8;
	v12 =	vlaneseq.u32 @!p0  }
0x15c: {  	s25 =	sor.u32 s5, s11;
	s14 =	rddreg [dreg:$0x5];
	s10 =	sshrl.u32 @!p0 s10, $0x3;
	v14 =	vmov @!p0 s8;
	v12 =	vmul.u32 @!p0 $0x80, v12;
	[tilespmem:$0x10230] =	vst v13  }
0x15d: {  	v13 =	vshll.u32 @!p0 v14, $0x7;
	v14 =	vmov @!p0 s10;
	[tilespmem:s18], [sflag:$0x5] =	stream.indirect.gather [hbm4b:s2+s9], $0x80, s14, s9, $0xb8;
	[tilespmem:$0x1A400] =	vst v63  }
0x15e: {  	s7 =	sshll.u32 s25, $0x4;
	v13 =	vor.u32 @!p0 v12, v13;
	v15 =	vand.u32 @!p0 $0x80, v14;
	_ =	swait.ge [sflag:s19], $0x2000  }
0x15f: {  	s26 =	simm.s32 $0x12400;
	s7 =	sadd.s32 s3, s7;
	v14 =	vand.u32 @!p0 $0x7F, v14;
	v13 =	vadd.s32 @!p0 v15, v13;
	[sflag:s19] =	ssyncset.done $0x0  }
0x160: {  	s11 =	simm.s32 @!p0 $0x6;
	s10 =	sor.u32 @!p0 $0x10, s8;
	v13 =	vor.u32 @!p0 v14, v13;
	[sflag:s19] =	ssyncadd.s32 $0xFFFFE000  }
0x161: {  	[hbm4b:s7+s4] =	stream.linear.scatter [tilespmem:s26], [sflag:$0x7], $0x2000, $0x38;
	[tilespmem:$0x1A400] =	vst v63  }
0x162: {  	v16 =	vmov @!p0 s10;
	_ =	swait.ge @!p0 [sflag:s11], $0x2000  }
0x163: {  	v16 =	vshll.u32 @!p0 v16, $0x7;
	[sflag:s11] =	ssyncset.done @!p0 $0x0  }
0x164: {  	v16 =	vor.u32 @!p0 v12, v16;
	s7 =	simm.s32 @!p0 $0x0;
	[sflag:s11] =	ssyncadd.s32 @!p0 $0xFFFFE000  }
0x165: {  	v16 =	vadd.s32 @!p0 v15, v16;
	v13 =	vld.idx.msk @!p0 [tilespmem:v13+s7+$0x0], $0xffff  }
0x166: {  	v16 =	vor.u32 @!p0 v14, v16  }
0x167: {  	s10 =	sor.u32 @!p0 $0x20, s8  }
0x168: {  	v17 =	vmov @!p0 s10  }
0x169: {  	v17 =	vshll.u32 @!p0 v17, $0x7  }
0x16a: {  	v17 =	vor.u32 @!p0 v12, v17;
	[tilespmem:$0x10000] =	vst @!p0 v13  }
0x16b: {  	v13 =	vadd.s32 @!p0 v15, v17;
	v16 =	vld.idx.msk @!p0 [tilespmem:v16+s7+$0x0], $0xffff  }
0x16c: {  	v13 =	vor.u32 @!p0 v14, v13  }
0x16d: {  	s8 =	sor.u32 @!p0 $0x30, s8  }
0x16e: {  	v17 =	vmov @!p0 s8  }
0x16f: {  	v17 =	vshll.u32 @!p0 v17, $0x7  }
0x170: {  	v17 =	vor.u32 @!p0 v12, v17;
	[tilespmem:$0x10010] =	vst @!p0 v16  }
0x171: {  	v15 =	vadd.s32 @!p0 v15, v17;
	v13 =	vld.idx.msk @!p0 [tilespmem:v13+s7+$0x0], $0xffff  }
0x172: {  	v14 =	vor.u32 @!p0 v14, v15;
	_ =	sdelay $0x3  }
0x173: {  	[tilespmem:$0x10020] =	vst @!p0 v13  }
0x174: {  	v13 =	vld.idx.msk @!p0 [tilespmem:v14+s7+$0x0], $0xffff;
	_ =	sdelay $0x3  }
0x175: {  	s29 =	sadd.s32 $0x1000, s30  }
0x176: {  	s12 =	simm.s32 @!p0 $0x10400;
	s10 =	simm.s32 @!p0 $0x40;
	s11 =	simm.s32 @!p0 $0x10000;
	[tilespmem:$0x10030] =	vst @!p0 v13  }
0x177: {  	[tilespmem:s12], [sflag:$0x1] =	stream.indirect.gather @!p0 [hbm4b:s2+s10], $0x80, s11, s10, $0xb8;
	[tilespmem:$0x1A400] =	vst v63  }
0x178: {  	s28 =	sadd.s32 $0xFFFFFEC0, s31;
	s14 =	sand.u32 $0x3FC000, s29;
	s11 =	sadd.s32 @!p0 $0xFFFFFFC0, s31  }
0x179: {  	s8 =	sadd.s32 @!p0 $0xFFFFFFFF, s0;
	s12 =	sand.u32 $0x1C0, s28;
	s11 =	sand.u32 @!p0 $0x1C0, s11  }
0x17a: {  	s8 =	sshrl.u32 @!p0 s8, $0x3;
	s12 =	sor.u32 s12, s14;
	v13 =	vmov @!p0 s11  }
0x17b: {  	v14 =	vmov @!p0 s8;
	_ =	swait.ge [sflag:s20], $0x2000;
	s12 =	sor.u32 s5, s12;
	v13 =	vshll.u32 @!p0 v13, $0x7  }
0x17c: {  	v15 =	vand.u32 @!p0 $0x80, v14;
	[sflag:s20] =	ssyncset.done $0x0;
	s8 =	sshll.u32 s12, $0x4;
	v13 =	vor.u32 @!p0 v12, v13  }
0x17d: {  	v14 =	vand.u32 @!p0 $0x7F, v14;
	[sflag:s20] =	ssyncadd.s32 $0xFFFFE000;
	s8 =	sadd.s32 s3, s8;
	v13 =	vadd.s32 @!p0 v15, v13  }
0x17e: {  	[hbm4b:s8+s4] =	stream.linear.scatter [tilespmem:s15], [sflag:$0x8], $0x2000, $0x38;
	v13 =	vor.u32 @!p0 v14, v13;
	[tilespmem:$0x1A400] =	vst v63  }
0x17f: {  	s12 =	simm.s32 @!p0 $0x7;
	s8 =	sor.u32 @!p0 $0x10, s11  }
0x180: {  	v16 =	vmov @!p0 s8;
	_ =	swait.ge @!p0 [sflag:s12], $0x2000  }
0x181: {  	v16 =	vshll.u32 @!p0 v16, $0x7;
	[sflag:s12] =	ssyncset.done @!p0 $0x0  }
0x182: {  	v16 =	vor.u32 @!p0 v12, v16;
	[sflag:s12] =	ssyncadd.s32 @!p0 $0xFFFFE000  }
0x183: {  	v16 =	vadd.s32 @!p0 v15, v16;
	v13 =	vld.idx.msk @!p0 [tilespmem:v13+s7+$0x0], $0xffff  }
0x184: {  	v16 =	vor.u32 @!p0 v14, v16  }
0x185: {  	s8 =	sor.u32 @!p0 $0x20, s11  }
0x186: {  	v17 =	vmov @!p0 s8  }
0x187: {  	v17 =	vshll.u32 @!p0 v17, $0x7  }
0x188: {  	v17 =	vor.u32 @!p0 v12, v17;
	[tilespmem:$0x10080] =	vst @!p0 v13  }
0x189: {  	v13 =	vadd.s32 @!p0 v15, v17;
	v16 =	vld.idx.msk @!p0 [tilespmem:v16+s7+$0x0], $0xffff  }
0x18a: {  	v13 =	vor.u32 @!p0 v14, v13  }
0x18b: {  	s8 =	sor.u32 @!p0 $0x30, s11  }
0x18c: {  	v17 =	vmov @!p0 s8  }
0x18d: {  	v17 =	vshll.u32 @!p0 v17, $0x7  }
0x18e: {  	v17 =	vor.u32 @!p0 v12, v17;
	[tilespmem:$0x10090] =	vst @!p0 v16  }
0x18f: {  	v15 =	vadd.s32 @!p0 v15, v17;
	v13 =	vld.idx.msk @!p0 [tilespmem:v13+s7+$0x0], $0xffff  }
0x190: {  	v14 =	vor.u32 @!p0 v14, v15;
	_ =	sdelay $0x3  }
0x191: {  	[tilespmem:$0x100A0] =	vst @!p0 v13  }
0x192: {  	v13 =	vld.idx.msk @!p0 [tilespmem:v14+s7+$0x0], $0xffff;
	_ =	sdelay $0x4  }
0x193: {  	s11 =	simm.s32 @!p0 $0x12400;
	s8 =	simm.s32 @!p0 $0x10080;
	[tilespmem:$0x100B0] =	vst @!p0 v13  }
0x194: {  	[tilespmem:s11], [sflag:$0x2] =	stream.indirect.gather @!p0 [hbm4b:s2+s10], $0x80, s8, s10, $0xb8;
	[tilespmem:$0x1A400] =	vst v63  }
0x195: {  	s8 =	sand.u32 @!p0 $0x1C0, s31  }
0x196: {  	s0 =	sshrl.u32 @!p0 s0, $0x3;
	v13 =	vmov @!p0 s8  }
0x197: {  	v14 =	vmov @!p0 s0;
	_ =	swait.ge [sflag:s21], $0x2000;
	v13 =	vshll.u32 @!p0 v13, $0x7  }
0x198: {  	s14 =	sshll.u32 s1, $0x4;
	v15 =	vand.u32 @!p0 $0x80, v14;
	[sflag:s21] =	ssyncset.done $0x0;
	v13 =	vor.u32 @!p0 v12, v13  }
0x199: {  	s0 =	sadd.s32 s3, s14;
	v14 =	vand.u32 @!p0 $0x7F, v14;
	[sflag:s21] =	ssyncadd.s32 $0xFFFFE000;
	v13 =	vadd.s32 @!p0 v15, v13  }
0x19a: {  	[hbm4b:s0+s4] =	stream.linear.scatter [tilespmem:s16], [sflag:$0x9], $0x2000, $0x38;
	v13 =	vor.u32 @!p0 v14, v13;
	[tilespmem:$0x1A400] =	vst v63  }
0x19b: {  	s1 =	simm.s32 @!p0 $0x8;
	s0 =	sor.u32 @!p0 $0x10, s8  }
0x19c: {  	v16 =	vmov @!p0 s0;
	_ =	swait.ge @!p0 [sflag:s1], $0x2000  }
0x19d: {  	v16 =	vshll.u32 @!p0 v16, $0x7;
	[sflag:s1] =	ssyncset.done @!p0 $0x0  }
0x19e: {  	v16 =	vor.u32 @!p0 v12, v16;
	[sflag:s1] =	ssyncadd.s32 @!p0 $0xFFFFE000  }
0x19f: {  	v16 =	vadd.s32 @!p0 v15, v16;
	v13 =	vld.idx.msk @!p0 [tilespmem:v13+s7+$0x0], $0xffff  }
0x1a0: {  	v16 =	vor.u32 @!p0 v14, v16  }
0x1a1: {  	s0 =	sor.u32 @!p0 $0x20, s8  }
0x1a2: {  	v17 =	vmov @!p0 s0  }
0x1a3: {  	v17 =	vshll.u32 @!p0 v17, $0x7  }
0x1a4: {  	v17 =	vor.u32 @!p0 v12, v17;
	[tilespmem:$0x10100] =	vst @!p0 v13  }
0x1a5: {  	v13 =	vadd.s32 @!p0 v15, v17;
	v16 =	vld.idx.msk @!p0 [tilespmem:v16+s7+$0x0], $0xffff  }
0x1a6: {  	v13 =	vor.u32 @!p0 v14, v13  }
0x1a7: {  	s0 =	sor.u32 @!p0 $0x30, s8  }
0x1a8: {  	v17 =	vmov @!p0 s0  }
0x1a9: {  	v17 =	vshll.u32 @!p0 v17, $0x7  }
0x1aa: {  	v12 =	vor.u32 @!p0 v12, v17;
	[tilespmem:$0x10110] =	vst @!p0 v16  }
0x1ab: {  	v12 =	vadd.s32 @!p0 v15, v12;
	v13 =	vld.idx.msk @!p0 [tilespmem:v13+s7+$0x0], $0xffff  }
0x1ac: {  	v12 =	vor.u32 @!p0 v14, v12;
	_ =	sdelay $0x3  }
0x1ad: {  	[tilespmem:$0x10120] =	vst @!p0 v13  }
0x1ae: {  	v12 =	vld.idx.msk @!p0 [tilespmem:v12+s7+$0x0], $0xffff;
	_ =	sdelay $0x4  }
0x1af: {  	s23 =	sadd.s32 $0x2000, s30;
	s1 =	simm.s32 @!p0 $0x14400;
	s0 =	simm.s32 @!p0 $0x10100;
	[tilespmem:$0x10130] =	vst @!p0 v12  }
0x1b0: {  	[tilespmem:s1], [sflag:$0x3] =	stream.indirect.gather @!p0 [hbm4b:s2+s10], $0x80, s0, s10, $0xb8;
	[tilespmem:$0x1A400] =	vst v63  }
0x1b1: {  	s0 =	sand.u32 $0x3FC000, s23  }
0x1b2: {  	s0 =	sor.u32 s6, s0  }
0x1b3: {  	_ =	swait.ge [sflag:s22], $0x2000;
	s0 =	sor.u32 s5, s0  }
0x1b4: {  	[sflag:s22] =	ssyncset.done $0x0;
	s0 =	sshll.u32 s0, $0x4  }
0x1b5: {  	s24 =	simm.s32 $0x6;
	[sflag:s22] =	ssyncadd.s32 $0xFFFFE000;
	s0 =	sadd.s32 s3, s0  }
0x1b6: {  	[hbm4b:s0+s4] =	stream.linear.scatter [tilespmem:s18], [sflag:$0xA], $0x2000, $0x38;
	[tilespmem:$0x1A400] =	vst v63  }
0x1b7: {  	_ =	swait.ge [sflag:s24], $0x2000  }
0x1b8: {  	[sflag:s24] =	ssyncset.done $0x0  }
0x1b9: {  	s25 =	simm.s32 $0x7;
	[sflag:s24] =	ssyncadd.s32 $0xFFFFE000  }
0x1ba: {  	_ =	swait.ge [sflag:s25], $0x2000  }
0x1bb: {  	[sflag:s25] =	ssyncset.done $0x0  }
0x1bc: {  	s26 =	simm.s32 $0x8;
	[sflag:s25] =	ssyncadd.s32 $0xFFFFE000  }
0x1bd: {  	_ =	swait.ge [sflag:s26], $0x2000  }
0x1be: {  	[sflag:s26] =	ssyncset.done $0x0  }
0x1bf: {  	s28 =	simm.s32 $0x9;
	[sflag:s26] =	ssyncadd.s32 $0xFFFFE000  }
0x1c0: {  	_ =	swait.ge [sflag:s28], $0x2000  }
0x1c1: {  	[sflag:s28] =	ssyncset.done $0x0  }
0x1c2: {  	s29 =	simm.s32 $0xA;
	[sflag:s28] =	ssyncadd.s32 $0xFFFFE000  }
0x1c3: {  	_ =	swait.ge [sflag:s29], $0x2000  }
0x1c4: {  	s30 =	rddreg [dreg:$0x8]  }
0x1c5: {  	s31 =	rddreg [dreg:$0x7];
	s6 =	sadd.s32 $0x1, s30  }
0x1c6: {  	p0 =	sne.s32 s6, s31  }
.Ltmp1:
0x1c7: {  	_ = 	snop;
	(pc) =	sbr.rel @p0 .LBB2_1-.Ltmp1, $3  }
0x1c8: {  	_ =	sdelay $0x1  }
0x1c9: {  	[sflag:s29] =	ssyncset.done $0x0  }
0x1ca: {  	[sflag:s29] =	ssyncadd.s32 $0xFFFFE000  }
0x1cb: {  	_ =	sfence.sel $0x180000  }
0x1cc: {  	[bflag:$0x0] =	sbarrier.arrive $0xFFFF  }
0x1cd: {  	_ =	strace $0x90000047  }
0x1ce: {  	s0 =	stileid.u32;
	[bflag:$0x2] =	sbarrier.arrive $0xFFFF  }
0x1cf: {  	p0 =	sne.s32 s0, $0x0;
	s0 =	rddreg [dreg:$0x3]  }
0x1d0: {  	s0 =	sadd.s32 @!p0 $0x100000, s0  }
0x1d1: {  	[sflag:s0] =	ssyncadd.tile.s32 @!p0 $0x1;
	_ =	shalt  }
.Lfunc_end2:
_tile_overlayer_lowered:
.L_overlay_start_2:
0x1d2: {  	(tag) =	ssettag $0x2  }
0x1d3: {  	s0 =	rddreg [dreg:$0x0];
	s2 =	stileid.u32  }
0x1d4: {  	s1 =	rddreg [dreg:$0x1];
	p0 =	sne.s32 s2, $0x0  }
0x1d5: {  	s3 =	rddreg [dreg:$0x2];
	[bflag:$0x3] =	sbarrier.arrive $0xFFFF;
	s2 =	simm.s32 @!p0 $0x1C0B  }
0x1d6: {  	[timem:s3], [sflag:s2] =	dma.local @!p0 [hbm:s0], s1  }
0x1d7: {  	s0 =	simm.s32 @!p0 $0xB  }
0x1d8: {  	_ =	swait.ge @!p0 [sflag:s0], s1  }
0x1d9: {  	s1 =	ssub.s32 @!p0 $0x0, s1;
	[sflag:s0] =	ssyncset.done @!p0 $0x0  }
0x1da: {  	[sflag:s0] =	ssyncadd.s32 @!p0 s1  }
0x1db: {  	[bflag:$0x3] =	sbarrier.arrive $0xFFFF  }
0x1dc: {  	_ =	shalt  }

</sc_bundles>
